<compile_context>
chip_gen: v7x
topology: tpu7x:2x2x1
jax: 0.10.2.dev20260603
libtpu: 0.0.44.dev20260713+nightly
codegen_flags: <defaults>
</compile_context>

<pallas_src>
import functools

import jax
import jax.numpy as jnp
from jax import lax
from jax.experimental import pallas as pl
from jax.experimental.pallas import tpu as pltpu
from jax.experimental.pallas import tpu_sc as plsc

D_MODEL = 1024
BSZ = 4
SEQ = 4096
NC = 2
NS = 16
NW = NC * NS

B = BSZ * SEQ
B_PER_W = B // NW
CHUNK = 56
_CHUNKS = [CHUNK] * (B_PER_W // CHUNK) + (
    [B_PER_W % CHUNK] if B_PER_W % CHUNK else [])
_OFFS = [sum(_CHUNKS[:i]) for i in range(len(_CHUNKS))]
NCHUNKS = len(_CHUNKS)
WPR = SEQ // B_PER_W

_mesh = plsc.VectorSubcoreMesh(core_axis_name="c", subcore_axis_name="s")


@functools.partial(
    pl.kernel,
    mesh=_mesh,
    out_type=jax.ShapeDtypeStruct((BSZ, SEQ, D_MODEL), jnp.float32),
    scratch_types=[
        pltpu.VMEM((B_PER_W,), jnp.int32),
        pltpu.VMEM((2, CHUNK, D_MODEL), jnp.float32),
        pltpu.SemaphoreType.DMA,
        pltpu.SemaphoreType.DMA,
        pltpu.SemaphoreType.DMA,
        pltpu.SemaphoreType.DMA,
    ],
)
def _embed_gather(tok_hbm, table_hbm, out_hbm, idx_v, buf,
                  si0, si1, so0, so1):
    wid = lax.axis_index("s") * NC + lax.axis_index("c")
    b = wid // WPR
    s0 = (wid % WPR) * B_PER_W
    pltpu.sync_copy(tok_hbm.at[b, pl.ds(s0, B_PER_W)], idx_v)
    sin, sout = (si0, si1), (so0, so1)

    def gather(c):
        return pltpu.async_copy(
            table_hbm.at[idx_v.at[pl.ds(_OFFS[c], _CHUNKS[c])]],
            buf.at[c % 2, pl.ds(0, _CHUNKS[c])], sin[c % 2])

    def put(c):
        return pltpu.async_copy(
            buf.at[c % 2, pl.ds(0, _CHUNKS[c])],
            out_hbm.at[b, pl.ds(s0 + _OFFS[c], _CHUNKS[c])],
            sout[c % 2])

    g = [None] * NCHUNKS
    p = [None] * NCHUNKS
    g[0] = gather(0)
    for c in range(NCHUNKS):
        if c + 1 < NCHUNKS:
            if c >= 1:
                p[c - 1].wait()
            g[c + 1] = gather(c + 1)
        g[c].wait()
        p[c] = put(c)
    p[NCHUNKS - 2].wait()
    p[NCHUNKS - 1].wait()


def kernel(tokens, W_E):
    return _embed_gather(tokens, W_E)

# --- scband reference (transcript-rebuilt; emitter-appended) ---
"""Pipeline reference for scband-embed-25228637897549 (READ-ONLY COPY).

The authoritative reference and input builder live on the scoring server;
editing this copy changes nothing except your own understanding.
"""

import jax, jax.numpy as jnp
import numpy as np

D_VOCAB = 50257
D_MODEL = 1024
BATCH = 4
SEQ = 4096

def setup_inputs(seed: int = 0) -> dict:
    key = jax.random.key(seed)
    k1, k2 = jax.random.split(key)
    tokens = jax.random.randint(k1, (BATCH, SEQ), 0, D_VOCAB, dtype=jnp.int64 if jax.config.jax_enable_x64 else jnp.int32)
    W_E = jax.random.normal(k2, (D_VOCAB, D_MODEL), dtype=jnp.float32) * 0.02
    return {"tokens": tokens, "W_E": W_E}

def reference(tokens, W_E):
    # Embed.forward with post_embedding_ln=False: W_E[tokens, :]
    return jnp.take(W_E, tokens, axis=0)

if __name__ == "__main__":
    import jax
    _d = setup_inputs()
    print(jax.jit(kernel)(*tuple(_d.values())))

</pallas_src>

<mosaic_0001>
#map = affine_map<(d0, d1) -> (0, 0)>
#map1 = affine_map<(d0, d1) -> (0, 0, 0)>
module attributes {stable_mosaic.version = 14 : i64} {
  func.func @_embed_gather(%arg0: i32, %arg1: i32, %arg2: memref<4x4096xi32, #tpu.memory_space<hbm>>, %arg3: memref<50257x1024xf32, #tpu.memory_space<hbm>>, %arg4: memref<4x4096x1024xf32, #tpu.memory_space<hbm>>, %arg5: memref<512xi32, #tpu.memory_space<vmem>>, %arg6: memref<2x56x1024xf32, #tpu.memory_space<vmem>>, %arg7: memref<!tpu.dma_semaphore, #tpu.memory_space<semaphore_mem>>, %arg8: memref<!tpu.dma_semaphore, #tpu.memory_space<semaphore_mem>>, %arg9: memref<!tpu.dma_semaphore, #tpu.memory_space<semaphore_mem>>, %arg10: memref<!tpu.dma_semaphore, #tpu.memory_space<semaphore_mem>>) attributes {dimension_semantics = [#tpu.dimension_semantics<core_parallel>, #tpu.dimension_semantics<subcore_parallel>], iteration_bounds = array<i64: 2, 16>, scalar_prefetch = 0 : i64, scratch_operands = 6 : i64, tpu.core_type = #tpu.core_type<sc_vector_subcore>, window_params = [{transform_indices = #map}, {transform_indices = #map}, {transform_indices = #map1}]} {
    %mul3A = arith.constant 2 : i32
    %mul3A_0 = arith.muli %arg1, %mul3A : i32
    %add3A = arith.addi %mul3A_0, %arg0 : i32
    %jit3A = arith.constant 8 : i32
    %div3A = arith.divsi %add3A, %jit3A : i32
    %sign3A = arith.constant 0 : i32
    %sign3A_1 = arith.cmpi sgt, %add3A, %sign3A : i32
    %sign3A_2 = arith.extui %sign3A_1 : i1 to i32
    %sign3A_3 = arith.constant 0 : i32
    %sign3A_4 = arith.cmpi slt, %add3A, %sign3A_3 : i32
    %sign3A_5 = arith.extui %sign3A_4 : i1 to i32
    %sign3A_6 = arith.subi %sign3A_2, %sign3A_5 : i32
    %sign3A_7 = arith.constant 0 : i32
    %sign3A_8 = arith.cmpi sgt, %jit3A, %sign3A_7 : i32
    %sign3A_9 = arith.extui %sign3A_8 : i1 to i32
    %sign3A_10 = arith.constant 0 : i32
    %sign3A_11 = arith.cmpi slt, %jit3A, %sign3A_10 : i32
    %sign3A_12 = arith.extui %sign3A_11 : i1 to i32
    %sign3A_13 = arith.subi %sign3A_9, %sign3A_12 : i32
    %ne3A = arith.cmpi ne, %sign3A_6, %sign3A_13 : i32
    %rem3A = arith.remsi %add3A, %jit3A : i32
    %ne3A_14 = arith.constant 0 : i32
    %ne3A_15 = arith.cmpi ne, %rem3A, %ne3A_14 : i32
    %and3A = arith.andi %ne3A, %ne3A_15 : i1
    %sub3A = arith.constant 1 : i32
    %sub3A_16 = arith.subi %div3A, %sub3A : i32
    %select_n3A = arith.select %and3A, %sub3A_16, %div3A : i32
    %jit3A_17 = arith.constant 8 : i32
    %eq3A = arith.constant 0 : i32
    %eq3A_18 = arith.cmpi eq, %jit3A_17, %eq3A : i32
    %jit3A_19 = arith.constant 1 : i32
    %select_n3A_20 = arith.select %eq3A_18, %jit3A_19, %jit3A_17 : i32
    %rem3A_21 = arith.remsi %add3A, %select_n3A_20 : i32
    %ne3A_22 = arith.constant 0 : i32
    %ne3A_23 = arith.cmpi ne, %rem3A_21, %ne3A_22 : i32
    %lt3A = arith.constant 0 : i32
    %lt3A_24 = arith.cmpi slt, %rem3A_21, %lt3A : i32
    %lt3A_25 = arith.constant 0 : i32
    %lt3A_26 = arith.cmpi slt, %select_n3A_20, %lt3A_25 : i32
    %ne3A_27 = arith.xori %lt3A_24, %lt3A_26 : i1
    %and3A_28 = arith.andi %ne3A_27, %ne3A_23 : i1
    %add3A_29 = arith.addi %rem3A_21, %select_n3A_20 : i32
    %select_n3A_30 = arith.select %and3A_28, %add3A_29, %rem3A_21 : i32
    %mul3A_31 = arith.constant 512 : i32
    %mul3A_32 = arith.muli %select_n3A_30, %mul3A_31 : i32
    "tpu.region"() ({
      %run_scoped3A = tpu.sem_alloc : memref<!tpu.dma_semaphore, #tpu.memory_space<semaphore_mem>>
      %dma_start3A_551 = tpu.memref_slice %arg2[%select_n3A, %mul3A_32] : memref<4x4096xi32, #tpu.memory_space<hbm>> -> memref<1x512xi32, #tpu.memory_space<hbm>>
      %dma_start3A_552 = tpu.memref_squeeze %dma_start3A_551 : memref<1x512xi32, #tpu.memory_space<hbm>> -> memref<512xi32, #tpu.memory_space<hbm>>
      %dma_start3A_553 = tpu.memref_slice %arg2[%select_n3A, %mul3A_32] : memref<4x4096xi32, #tpu.memory_space<hbm>> -> memref<1x512xi32, #tpu.memory_space<hbm>>
      %dma_start3A_554 = tpu.memref_squeeze %dma_start3A_553 : memref<1x512xi32, #tpu.memory_space<hbm>> -> memref<512xi32, #tpu.memory_space<hbm>>
      tpu.enqueue_dma source(%dma_start3A_554 : memref<512xi32, #tpu.memory_space<hbm>>) target(%arg5 : memref<512xi32, #tpu.memory_space<vmem>>) target_semaphore(%run_scoped3A : memref<!tpu.dma_semaphore, #tpu.memory_space<semaphore_mem>>)
      %dma_wait3A_555 = tpu.memref_slice %arg2[%select_n3A, %mul3A_32] : memref<4x4096xi32, #tpu.memory_space<hbm>> -> memref<1x512xi32, #tpu.memory_space<hbm>>
      %dma_wait3A_556 = tpu.memref_squeeze %dma_wait3A_555 : memref<1x512xi32, #tpu.memory_space<hbm>> -> memref<512xi32, #tpu.memory_space<hbm>>
      %dma_wait3A_557 = tpu.memref_slice %arg2[%select_n3A, %mul3A_32] : memref<4x4096xi32, #tpu.memory_space<hbm>> -> memref<1x512xi32, #tpu.memory_space<hbm>>
      %dma_wait3A_558 = tpu.memref_squeeze %dma_wait3A_557 : memref<1x512xi32, #tpu.memory_space<hbm>> -> memref<512xi32, #tpu.memory_space<hbm>>
      tpu.wait_dma2 semaphore(%run_scoped3A : memref<!tpu.dma_semaphore, #tpu.memory_space<semaphore_mem>>) src(%dma_wait3A_558 : memref<512xi32, #tpu.memory_space<hbm>>) dst(%arg5 : memref<512xi32, #tpu.memory_space<vmem>>)
      tpu.yield
    }) : () -> ()
    %dma_start3A = arith.constant 0 : i32
    %dma_start3A_33 = arith.constant 0 : i32
    %dma_start3A_34 = arith.constant 0 : i32
    %dma_start3A_35 = tpu.memref_slice %arg6[%dma_start3A, %dma_start3A_33, %dma_start3A_34] : memref<2x56x1024xf32, #tpu.memory_space<vmem>> -> memref<1x56x1024xf32, #tpu.memory_space<vmem>>
    %dma_start3A_36 = tpu.memref_squeeze %dma_start3A_35 : memref<1x56x1024xf32, #tpu.memory_space<vmem>> -> memref<56x1024xf32, #tpu.memory_space<vmem>>
    %dma_start3A_37 = arith.constant 0 : i32
    %dma_start3A_38 = tpu.memref_slice %arg5[%dma_start3A_37] : memref<512xi32, #tpu.memory_space<vmem>> -> memref<56xi32, #tpu.memory_space<vmem>>
    %dma_start3A_39 = arith.constant 0 : i32
    %dma_start3A_40 = arith.constant 0 : i32
    %dma_start3A_41 = tpu.memref_slice %arg3[%dma_start3A_39, %dma_start3A_40] : memref<50257x1024xf32, #tpu.memory_space<hbm>> -> memref<50257x1024xf32, #tpu.memory_space<hbm>>
    tpu.enqueue_indirect_dma source(%dma_start3A_41 : memref<50257x1024xf32, #tpu.memory_space<hbm>>) target(%dma_start3A_36 : memref<56x1024xf32, #tpu.memory_space<vmem>>) offsets(%dma_start3A_38 : memref<56xi32, #tpu.memory_space<vmem>>) semaphore(%arg7 : memref<!tpu.dma_semaphore, #tpu.memory_space<semaphore_mem>>)
    %dma_start3A_42 = arith.constant 1 : i32
    %dma_start3A_43 = arith.constant 0 : i32
    %dma_start3A_44 = arith.constant 0 : i32
    %dma_start3A_45 = tpu.memref_slice %arg6[%dma_start3A_42, %dma_start3A_43, %dma_start3A_44] : memref<2x56x1024xf32, #tpu.memory_space<vmem>> -> memref<1x56x1024xf32, #tpu.memory_space<vmem>>
    %dma_start3A_46 = tpu.memref_squeeze %dma_start3A_45 : memref<1x56x1024xf32, #tpu.memory_space<vmem>> -> memref<56x1024xf32, #tpu.memory_space<vmem>>
    %dma_start3A_47 = arith.constant 56 : i32
    %dma_start3A_48 = tpu.memref_slice %arg5[%dma_start3A_47] : memref<512xi32, #tpu.memory_space<vmem>> -> memref<56xi32, #tpu.memory_space<vmem>>
    %dma_start3A_49 = arith.constant 0 : i32
    %dma_start3A_50 = arith.constant 0 : i32
    %dma_start3A_51 = tpu.memref_slice %arg3[%dma_start3A_49, %dma_start3A_50] : memref<50257x1024xf32, #tpu.memory_space<hbm>> -> memref<50257x1024xf32, #tpu.memory_space<hbm>>
    tpu.enqueue_indirect_dma source(%dma_start3A_51 : memref<50257x1024xf32, #tpu.memory_space<hbm>>) target(%dma_start3A_46 : memref<56x1024xf32, #tpu.memory_space<vmem>>) offsets(%dma_start3A_48 : memref<56xi32, #tpu.memory_space<vmem>>) semaphore(%arg8 : memref<!tpu.dma_semaphore, #tpu.memory_space<semaphore_mem>>)
    %dma_wait3A = arith.constant 0 : i32
    %dma_wait3A_52 = arith.constant 0 : i32
    %dma_wait3A_53 = arith.constant 0 : i32
    %dma_wait3A_54 = tpu.memref_slice %arg6[%dma_wait3A, %dma_wait3A_52, %dma_wait3A_53] : memref<2x56x1024xf32, #tpu.memory_space<vmem>> -> memref<1x56x1024xf32, #tpu.memory_space<vmem>>
    %dma_wait3A_55 = tpu.memref_squeeze %dma_wait3A_54 : memref<1x56x1024xf32, #tpu.memory_space<vmem>> -> memref<56x1024xf32, #tpu.memory_space<vmem>>
    %dma_wait3A_56 = arith.constant 0 : i32
    %dma_wait3A_57 = tpu.memref_slice %arg5[%dma_wait3A_56] : memref<512xi32, #tpu.memory_space<vmem>> -> memref<56xi32, #tpu.memory_space<vmem>>
    %dma_wait3A_58 = arith.constant 0 : i32
    %dma_wait3A_59 = arith.constant 0 : i32
    %dma_wait3A_60 = tpu.memref_slice %arg3[%dma_wait3A_58, %dma_wait3A_59] : memref<50257x1024xf32, #tpu.memory_space<hbm>> -> memref<50257x1024xf32, #tpu.memory_space<hbm>>
    tpu.wait_indirect_dma semaphore(%arg7 : memref<!tpu.dma_semaphore, #tpu.memory_space<semaphore_mem>>) src(%dma_wait3A_60 : memref<50257x1024xf32, #tpu.memory_space<hbm>>) dst(%dma_wait3A_55 : memref<56x1024xf32, #tpu.memory_space<vmem>>)
    %add3A_61 = arith.constant 0 : i32
    %add3A_62 = arith.addi %mul3A_32, %add3A_61 : i32
    %dma_start3A_63 = arith.constant 0 : i32
    %dma_start3A_64 = arith.constant 0 : i32
    %dma_start3A_65 = arith.constant 0 : i32
    %dma_start3A_66 = tpu.memref_slice %arg6[%dma_start3A_63, %dma_start3A_64, %dma_start3A_65] : memref<2x56x1024xf32, #tpu.memory_space<vmem>> -> memref<1x56x1024xf32, #tpu.memory_space<vmem>>
    %dma_start3A_67 = tpu.memref_squeeze %dma_start3A_66 : memref<1x56x1024xf32, #tpu.memory_space<vmem>> -> memref<56x1024xf32, #tpu.memory_space<vmem>>
    %dma_start3A_68 = arith.constant 0 : i32
    %dma_start3A_69 = tpu.memref_slice %arg4[%select_n3A, %add3A_62, %dma_start3A_68] : memref<4x4096x1024xf32, #tpu.memory_space<hbm>> -> memref<1x56x1024xf32, #tpu.memory_space<hbm>>
    %dma_start3A_70 = tpu.memref_squeeze %dma_start3A_69 : memref<1x56x1024xf32, #tpu.memory_space<hbm>> -> memref<56x1024xf32, #tpu.memory_space<hbm>>
    %dma_start3A_71 = arith.constant 0 : i32
    %dma_start3A_72 = tpu.memref_slice %arg4[%select_n3A, %add3A_62, %dma_start3A_71] : memref<4x4096x1024xf32, #tpu.memory_space<hbm>> -> memref<1x56x1024xf32, #tpu.memory_space<hbm>>
    %dma_start3A_73 = tpu.memref_squeeze %dma_start3A_72 : memref<1x56x1024xf32, #tpu.memory_space<hbm>> -> memref<56x1024xf32, #tpu.memory_space<hbm>>
    %dma_start3A_74 = arith.constant 0 : i32
    %dma_start3A_75 = arith.constant 0 : i32
    %dma_start3A_76 = tpu.memref_slice %arg6[%dma_start3A_63, %dma_start3A_74, %dma_start3A_75] : memref<2x56x1024xf32, #tpu.memory_space<vmem>> -> memref<1x56x1024xf32, #tpu.memory_space<vmem>>
    %dma_start3A_77 = tpu.memref_squeeze %dma_start3A_76 : memref<1x56x1024xf32, #tpu.memory_space<vmem>> -> memref<56x1024xf32, #tpu.memory_space<vmem>>
    tpu.enqueue_dma source(%dma_start3A_77 : memref<56x1024xf32, #tpu.memory_space<vmem>>) target(%dma_start3A_73 : memref<56x1024xf32, #tpu.memory_space<hbm>>) target_semaphore(%arg9 : memref<!tpu.dma_semaphore, #tpu.memory_space<semaphore_mem>>)
    %dma_wait3A_78 = arith.constant 0 : i32
    %dma_wait3A_79 = arith.constant 0 : i32
    %dma_wait3A_80 = arith.constant 0 : i32
    %dma_wait3A_81 = tpu.memref_slice %arg6[%dma_wait3A_78, %dma_wait3A_79, %dma_wait3A_80] : memref<2x56x1024xf32, #tpu.memory_space<vmem>> -> memref<1x56x1024xf32, #tpu.memory_space<vmem>>
    %dma_wait3A_82 = tpu.memref_squeeze %dma_wait3A_81 : memref<1x56x1024xf32, #tpu.memory_space<vmem>> -> memref<56x1024xf32, #tpu.memory_space<vmem>>
    %dma_wait3A_83 = arith.constant 0 : i32
    %dma_wait3A_84 = tpu.memref_slice %arg4[%select_n3A, %add3A_62, %dma_wait3A_83] : memref<4x4096x1024xf32, #tpu.memory_space<hbm>> -> memref<1x56x1024xf32, #tpu.memory_space<hbm>>
    %dma_wait3A_85 = tpu.memref_squeeze %dma_wait3A_84 : memref<1x56x1024xf32, #tpu.memory_space<hbm>> -> memref<56x1024xf32, #tpu.memory_space<hbm>>
    %dma_wait3A_86 = arith.constant 0 : i32
    %dma_wait3A_87 = tpu.memref_slice %arg4[%select_n3A, %add3A_62, %dma_wait3A_86] : memref<4x4096x1024xf32, #tpu.memory_space<hbm>> -> memref<1x56x1024xf32, #tpu.memory_space<hbm>>
    %dma_wait3A_88 = tpu.memref_squeeze %dma_wait3A_87 : memref<1x56x1024xf32, #tpu.memory_space<hbm>> -> memref<56x1024xf32, #tpu.memory_space<hbm>>
    %dma_wait3A_89 = arith.constant 0 : i32
    %dma_wait3A_90 = arith.constant 0 : i32
    %dma_wait3A_91 = tpu.memref_slice %arg6[%dma_wait3A_78, %dma_wait3A_89, %dma_wait3A_90] : memref<2x56x1024xf32, #tpu.memory_space<vmem>> -> memref<1x56x1024xf32, #tpu.memory_space<vmem>>
    %dma_wait3A_92 = tpu.memref_squeeze %dma_wait3A_91 : memref<1x56x1024xf32, #tpu.memory_space<vmem>> -> memref<56x1024xf32, #tpu.memory_space<vmem>>
    tpu.wait_dma2 semaphore(%arg9 : memref<!tpu.dma_semaphore, #tpu.memory_space<semaphore_mem>>) src(%dma_wait3A_92 : memref<56x1024xf32, #tpu.memory_space<vmem>>) dst(%dma_wait3A_88 : memref<56x1024xf32, #tpu.memory_space<hbm>>)
    %dma_start3A_93 = arith.constant 0 : i32
    %dma_start3A_94 = arith.constant 0 : i32
    %dma_start3A_95 = arith.constant 0 : i32
    %dma_start3A_96 = tpu.memref_slice %arg6[%dma_start3A_93, %dma_start3A_94, %dma_start3A_95] : memref<2x56x1024xf32, #tpu.memory_space<vmem>> -> memref<1x56x1024xf32, #tpu.memory_space<vmem>>
    %dma_start3A_97 = tpu.memref_squeeze %dma_start3A_96 : memref<1x56x1024xf32, #tpu.memory_space<vmem>> -> memref<56x1024xf32, #tpu.memory_space<vmem>>
    %dma_start3A_98 = arith.constant 112 : i32
    %dma_start3A_99 = tpu.memref_slice %arg5[%dma_start3A_98] : memref<512xi32, #tpu.memory_space<vmem>> -> memref<56xi32, #tpu.memory_space<vmem>>
    %dma_start3A_100 = arith.constant 0 : i32
    %dma_start3A_101 = arith.constant 0 : i32
    %dma_start3A_102 = tpu.memref_slice %arg3[%dma_start3A_100, %dma_start3A_101] : memref<50257x1024xf32, #tpu.memory_space<hbm>> -> memref<50257x1024xf32, #tpu.memory_space<hbm>>
    tpu.enqueue_indirect_dma source(%dma_start3A_102 : memref<50257x1024xf32, #tpu.memory_space<hbm>>) target(%dma_start3A_97 : memref<56x1024xf32, #tpu.memory_space<vmem>>) offsets(%dma_start3A_99 : memref<56xi32, #tpu.memory_space<vmem>>) semaphore(%arg7 : memref<!tpu.dma_semaphore, #tpu.memory_space<semaphore_mem>>)
    %dma_wait3A_103 = arith.constant 1 : i32
    %dma_wait3A_104 = arith.constant 0 : i32
    %dma_wait3A_105 = arith.constant 0 : i32
    %dma_wait3A_106 = tpu.memref_slice %arg6[%dma_wait3A_103, %dma_wait3A_104, %dma_wait3A_105] : memref<2x56x1024xf32, #tpu.memory_space<vmem>> -> memref<1x56x1024xf32, #tpu.memory_space<vmem>>
    %dma_wait3A_107 = tpu.memref_squeeze %dma_wait3A_106 : memref<1x56x1024xf32, #tpu.memory_space<vmem>> -> memref<56x1024xf32, #tpu.memory_space<vmem>>
    %dma_wait3A_108 = arith.constant 56 : i32
    %dma_wait3A_109 = tpu.memref_slice %arg5[%dma_wait3A_108] : memref<512xi32, #tpu.memory_space<vmem>> -> memref<56xi32, #tpu.memory_space<vmem>>
    %dma_wait3A_110 = arith.constant 0 : i32
    %dma_wait3A_111 = arith.constant 0 : i32
    %dma_wait3A_112 = tpu.memref_slice %arg3[%dma_wait3A_110, %dma_wait3A_111] : memref<50257x1024xf32, #tpu.memory_space<hbm>> -> memref<50257x1024xf32, #tpu.memory_space<hbm>>
    tpu.wait_indirect_dma semaphore(%arg8 : memref<!tpu.dma_semaphore, #tpu.memory_space<semaphore_mem>>) src(%dma_wait3A_112 : memref<50257x1024xf32, #tpu.memory_space<hbm>>) dst(%dma_wait3A_107 : memref<56x1024xf32, #tpu.memory_space<vmem>>)
    %add3A_113 = arith.constant 56 : i32
    %add3A_114 = arith.addi %mul3A_32, %add3A_113 : i32
    %dma_start3A_115 = arith.constant 1 : i32
    %dma_start3A_116 = arith.constant 0 : i32
    %dma_start3A_117 = arith.constant 0 : i32
    %dma_start3A_118 = tpu.memref_slice %arg6[%dma_start3A_115, %dma_start3A_116, %dma_start3A_117] : memref<2x56x1024xf32, #tpu.memory_space<vmem>> -> memref<1x56x1024xf32, #tpu.memory_space<vmem>>
    %dma_start3A_119 = tpu.memref_squeeze %dma_start3A_118 : memref<1x56x1024xf32, #tpu.memory_space<vmem>> -> memref<56x1024xf32, #tpu.memory_space<vmem>>
    %dma_start3A_120 = arith.constant 0 : i32
    %dma_start3A_121 = tpu.memref_slice %arg4[%select_n3A, %add3A_114, %dma_start3A_120] : memref<4x4096x1024xf32, #tpu.memory_space<hbm>> -> memref<1x56x1024xf32, #tpu.memory_space<hbm>>
    %dma_start3A_122 = tpu.memref_squeeze %dma_start3A_121 : memref<1x56x1024xf32, #tpu.memory_space<hbm>> -> memref<56x1024xf32, #tpu.memory_space<hbm>>
    %dma_start3A_123 = arith.constant 0 : i32
    %dma_start3A_124 = tpu.memref_slice %arg4[%select_n3A, %add3A_114, %dma_start3A_123] : memref<4x4096x1024xf32, #tpu.memory_space<hbm>> -> memref<1x56x1024xf32, #tpu.memory_space<hbm>>
    %dma_start3A_125 = tpu.memref_squeeze %dma_start3A_124 : memref<1x56x1024xf32, #tpu.memory_space<hbm>> -> memref<56x1024xf32, #tpu.memory_space<hbm>>
    %dma_start3A_126 = arith.constant 0 : i32
    %dma_start3A_127 = arith.constant 0 : i32
    %dma_start3A_128 = tpu.memref_slice %arg6[%dma_start3A_115, %dma_start3A_126, %dma_start3A_127] : memref<2x56x1024xf32, #tpu.memory_space<vmem>> -> memref<1x56x1024xf32, #tpu.memory_space<vmem>>
    %dma_start3A_129 = tpu.memref_squeeze %dma_start3A_128 : memref<1x56x1024xf32, #tpu.memory_space<vmem>> -> memref<56x1024xf32, #tpu.memory_space<vmem>>
    tpu.enqueue_dma source(%dma_start3A_129 : memref<56x1024xf32, #tpu.memory_space<vmem>>) target(%dma_start3A_125 : memref<56x1024xf32, #tpu.memory_space<hbm>>) target_semaphore(%arg10 : memref<!tpu.dma_semaphore, #tpu.memory_space<semaphore_mem>>)
    %dma_wait3A_130 = arith.constant 1 : i32
    %dma_wait3A_131 = arith.constant 0 : i32
    %dma_wait3A_132 = arith.constant 0 : i32
    %dma_wait3A_133 = tpu.memref_slice %arg6[%dma_wait3A_130, %dma_wait3A_131, %dma_wait3A_132] : memref<2x56x1024xf32, #tpu.memory_space<vmem>> -> memref<1x56x1024xf32, #tpu.memory_space<vmem>>
    %dma_wait3A_134 = tpu.memref_squeeze %dma_wait3A_133 : memref<1x56x1024xf32, #tpu.memory_space<vmem>> -> memref<56x1024xf32, #tpu.memory_space<vmem>>
    %dma_wait3A_135 = arith.constant 0 : i32
    %dma_wait3A_136 = tpu.memref_slice %arg4[%select_n3A, %add3A_114, %dma_wait3A_135] : memref<4x4096x1024xf32, #tpu.memory_space<hbm>> -> memref<1x56x1024xf32, #tpu.memory_space<hbm>>
    %dma_wait3A_137 = tpu.memref_squeeze %dma_wait3A_136 : memref<1x56x1024xf32, #tpu.memory_space<hbm>> -> memref<56x1024xf32, #tpu.memory_space<hbm>>
    %dma_wait3A_138 = arith.constant 0 : i32
    %dma_wait3A_139 = tpu.memref_slice %arg4[%select_n3A, %add3A_114, %dma_wait3A_138] : memref<4x4096x1024xf32, #tpu.memory_space<hbm>> -> memref<1x56x1024xf32, #tpu.memory_space<hbm>>
    %dma_wait3A_140 = tpu.memref_squeeze %dma_wait3A_139 : memref<1x56x1024xf32, #tpu.memory_space<hbm>> -> memref<56x1024xf32, #tpu.memory_space<hbm>>
    %dma_wait3A_141 = arith.constant 0 : i32
    %dma_wait3A_142 = arith.constant 0 : i32
    %dma_wait3A_143 = tpu.memref_slice %arg6[%dma_wait3A_130, %dma_wait3A_141, %dma_wait3A_142] : memref<2x56x1024xf32, #tpu.memory_space<vmem>> -> memref<1x56x1024xf32, #tpu.memory_space<vmem>>
    %dma_wait3A_144 = tpu.memref_squeeze %dma_wait3A_143 : memref<1x56x1024xf32, #tpu.memory_space<vmem>> -> memref<56x1024xf32, #tpu.memory_space<vmem>>
    tpu.wait_dma2 semaphore(%arg10 : memref<!tpu.dma_semaphore, #tpu.memory_space<semaphore_mem>>) src(%dma_wait3A_144 : memref<56x1024xf32, #tpu.memory_space<vmem>>) dst(%dma_wait3A_140 : memref<56x1024xf32, #tpu.memory_space<hbm>>)
    %dma_start3A_145 = arith.constant 1 : i32
    %dma_start3A_146 = arith.constant 0 : i32
    %dma_start3A_147 = arith.constant 0 : i32
    %dma_start3A_148 = tpu.memref_slice %arg6[%dma_start3A_145, %dma_start3A_146, %dma_start3A_147] : memref<2x56x1024xf32, #tpu.memory_space<vmem>> -> memref<1x56x1024xf32, #tpu.memory_space<vmem>>
    %dma_start3A_149 = tpu.memref_squeeze %dma_start3A_148 : memref<1x56x1024xf32, #tpu.memory_space<vmem>> -> memref<56x1024xf32, #tpu.memory_space<vmem>>
    %dma_start3A_150 = arith.constant 168 : i32
    %dma_start3A_151 = tpu.memref_slice %arg5[%dma_start3A_150] : memref<512xi32, #tpu.memory_space<vmem>> -> memref<56xi32, #tpu.memory_space<vmem>>
    %dma_start3A_152 = arith.constant 0 : i32
    %dma_start3A_153 = arith.constant 0 : i32
    %dma_start3A_154 = tpu.memref_slice %arg3[%dma_start3A_152, %dma_start3A_153] : memref<50257x1024xf32, #tpu.memory_space<hbm>> -> memref<50257x1024xf32, #tpu.memory_space<hbm>>
    tpu.enqueue_indirect_dma source(%dma_start3A_154 : memref<50257x1024xf32, #tpu.memory_space<hbm>>) target(%dma_start3A_149 : memref<56x1024xf32, #tpu.memory_space<vmem>>) offsets(%dma_start3A_151 : memref<56xi32, #tpu.memory_space<vmem>>) semaphore(%arg8 : memref<!tpu.dma_semaphore, #tpu.memory_space<semaphore_mem>>)
    %dma_wait3A_155 = arith.constant 0 : i32
    %dma_wait3A_156 = arith.constant 0 : i32
    %dma_wait3A_157 = arith.constant 0 : i32
    %dma_wait3A_158 = tpu.memref_slice %arg6[%dma_wait3A_155, %dma_wait3A_156, %dma_wait3A_157] : memref<2x56x1024xf32, #tpu.memory_space<vmem>> -> memref<1x56x1024xf32, #tpu.memory_space<vmem>>
    %dma_wait3A_159 = tpu.memref_squeeze %dma_wait3A_158 : memref<1x56x1024xf32, #tpu.memory_space<vmem>> -> memref<56x1024xf32, #tpu.memory_space<vmem>>
    %dma_wait3A_160 = arith.constant 112 : i32
    %dma_wait3A_161 = tpu.memref_slice %arg5[%dma_wait3A_160] : memref<512xi32, #tpu.memory_space<vmem>> -> memref<56xi32, #tpu.memory_space<vmem>>
    %dma_wait3A_162 = arith.constant 0 : i32
    %dma_wait3A_163 = arith.constant 0 : i32
    %dma_wait3A_164 = tpu.memref_slice %arg3[%dma_wait3A_162, %dma_wait3A_163] : memref<50257x1024xf32, #tpu.memory_space<hbm>> -> memref<50257x1024xf32, #tpu.memory_space<hbm>>
    tpu.wait_indirect_dma semaphore(%arg7 : memref<!tpu.dma_semaphore, #tpu.memory_space<semaphore_mem>>) src(%dma_wait3A_164 : memref<50257x1024xf32, #tpu.memory_space<hbm>>) dst(%dma_wait3A_159 : memref<56x1024xf32, #tpu.memory_space<vmem>>)
    %add3A_165 = arith.constant 112 : i32
    %add3A_166 = arith.addi %mul3A_32, %add3A_165 : i32
    %dma_start3A_167 = arith.constant 0 : i32
    %dma_start3A_168 = arith.constant 0 : i32
    %dma_start3A_169 = arith.constant 0 : i32
    %dma_start3A_170 = tpu.memref_slice %arg6[%dma_start3A_167, %dma_start3A_168, %dma_start3A_169] : memref<2x56x1024xf32, #tpu.memory_space<vmem>> -> memref<1x56x1024xf32, #tpu.memory_space<vmem>>
    %dma_start3A_171 = tpu.memref_squeeze %dma_start3A_170 : memref<1x56x1024xf32, #tpu.memory_space<vmem>> -> memref<56x1024xf32, #tpu.memory_space<vmem>>
    %dma_start3A_172 = arith.constant 0 : i32
    %dma_start3A_173 = tpu.memref_slice %arg4[%select_n3A, %add3A_166, %dma_start3A_172] : memref<4x4096x1024xf32, #tpu.memory_space<hbm>> -> memref<1x56x1024xf32, #tpu.memory_space<hbm>>
    %dma_start3A_174 = tpu.memref_squeeze %dma_start3A_173 : memref<1x56x1024xf32, #tpu.memory_space<hbm>> -> memref<56x1024xf32, #tpu.memory_space<hbm>>
    %dma_start3A_175 = arith.constant 0 : i32
    %dma_start3A_176 = tpu.memref_slice %arg4[%select_n3A, %add3A_166, %dma_start3A_175] : memref<4x4096x1024xf32, #tpu.memory_space<hbm>> -> memref<1x56x1024xf32, #tpu.memory_space<hbm>>
    %dma_start3A_177 = tpu.memref_squeeze %dma_start3A_176 : memref<1x56x1024xf32, #tpu.memory_space<hbm>> -> memref<56x1024xf32, #tpu.memory_space<hbm>>
    %dma_start3A_178 = arith.constant 0 : i32
    %dma_start3A_179 = arith.constant 0 : i32
    %dma_start3A_180 = tpu.memref_slice %arg6[%dma_start3A_167, %dma_start3A_178, %dma_start3A_179] : memref<2x56x1024xf32, #tpu.memory_space<vmem>> -> memref<1x56x1024xf32, #tpu.memory_space<vmem>>
    %dma_start3A_181 = tpu.memref_squeeze %dma_start3A_180 : memref<1x56x1024xf32, #tpu.memory_space<vmem>> -> memref<56x1024xf32, #tpu.memory_space<vmem>>
    tpu.enqueue_dma source(%dma_start3A_181 : memref<56x1024xf32, #tpu.memory_space<vmem>>) target(%dma_start3A_177 : memref<56x1024xf32, #tpu.memory_space<hbm>>) target_semaphore(%arg9 : memref<!tpu.dma_semaphore, #tpu.memory_space<semaphore_mem>>)
    %dma_wait3A_182 = arith.constant 0 : i32
    %dma_wait3A_183 = arith.constant 0 : i32
    %dma_wait3A_184 = arith.constant 0 : i32
    %dma_wait3A_185 = tpu.memref_slice %arg6[%dma_wait3A_182, %dma_wait3A_183, %dma_wait3A_184] : memref<2x56x1024xf32, #tpu.memory_space<vmem>> -> memref<1x56x1024xf32, #tpu.memory_space<vmem>>
    %dma_wait3A_186 = tpu.memref_squeeze %dma_wait3A_185 : memref<1x56x1024xf32, #tpu.memory_space<vmem>> -> memref<56x1024xf32, #tpu.memory_space<vmem>>
    %dma_wait3A_187 = arith.constant 0 : i32
    %dma_wait3A_188 = tpu.memref_slice %arg4[%select_n3A, %add3A_166, %dma_wait3A_187] : memref<4x4096x1024xf32, #tpu.memory_space<hbm>> -> memref<1x56x1024xf32, #tpu.memory_space<hbm>>
    %dma_wait3A_189 = tpu.memref_squeeze %dma_wait3A_188 : memref<1x56x1024xf32, #tpu.memory_space<hbm>> -> memref<56x1024xf32, #tpu.memory_space<hbm>>
    %dma_wait3A_190 = arith.constant 0 : i32
    %dma_wait3A_191 = tpu.memref_slice %arg4[%select_n3A, %add3A_166, %dma_wait3A_190] : memref<4x4096x1024xf32, #tpu.memory_space<hbm>> -> memref<1x56x1024xf32, #tpu.memory_space<hbm>>
    %dma_wait3A_192 = tpu.memref_squeeze %dma_wait3A_191 : memref<1x56x1024xf32, #tpu.memory_space<hbm>> -> memref<56x1024xf32, #tpu.memory_space<hbm>>
    %dma_wait3A_193 = arith.constant 0 : i32
    %dma_wait3A_194 = arith.constant 0 : i32
    %dma_wait3A_195 = tpu.memref_slice %arg6[%dma_wait3A_182, %dma_wait3A_193, %dma_wait3A_194] : memref<2x56x1024xf32, #tpu.memory_space<vmem>> -> memref<1x56x1024xf32, #tpu.memory_space<vmem>>
    %dma_wait3A_196 = tpu.memref_squeeze %dma_wait3A_195 : memref<1x56x1024xf32, #tpu.memory_space<vmem>> -> memref<56x1024xf32, #tpu.memory_space<vmem>>
    tpu.wait_dma2 semaphore(%arg9 : memref<!tpu.dma_semaphore, #tpu.memory_space<semaphore_mem>>) src(%dma_wait3A_196 : memref<56x1024xf32, #tpu.memory_space<vmem>>) dst(%dma_wait3A_192 : memref<56x1024xf32, #tpu.memory_space<hbm>>)
    %dma_start3A_197 = arith.constant 0 : i32
    %dma_start3A_198 = arith.constant 0 : i32
    %dma_start3A_199 = arith.constant 0 : i32
    %dma_start3A_200 = tpu.memref_slice %arg6[%dma_start3A_197, %dma_start3A_198, %dma_start3A_199] : memref<2x56x1024xf32, #tpu.memory_space<vmem>> -> memref<1x56x1024xf32, #tpu.memory_space<vmem>>
    %dma_start3A_201 = tpu.memref_squeeze %dma_start3A_200 : memref<1x56x1024xf32, #tpu.memory_space<vmem>> -> memref<56x1024xf32, #tpu.memory_space<vmem>>
    %dma_start3A_202 = arith.constant 224 : i32
    %dma_start3A_203 = tpu.memref_slice %arg5[%dma_start3A_202] : memref<512xi32, #tpu.memory_space<vmem>> -> memref<56xi32, #tpu.memory_space<vmem>>
    %dma_start3A_204 = arith.constant 0 : i32
    %dma_start3A_205 = arith.constant 0 : i32
    %dma_start3A_206 = tpu.memref_slice %arg3[%dma_start3A_204, %dma_start3A_205] : memref<50257x1024xf32, #tpu.memory_space<hbm>> -> memref<50257x1024xf32, #tpu.memory_space<hbm>>
    tpu.enqueue_indirect_dma source(%dma_start3A_206 : memref<50257x1024xf32, #tpu.memory_space<hbm>>) target(%dma_start3A_201 : memref<56x1024xf32, #tpu.memory_space<vmem>>) offsets(%dma_start3A_203 : memref<56xi32, #tpu.memory_space<vmem>>) semaphore(%arg7 : memref<!tpu.dma_semaphore, #tpu.memory_space<semaphore_mem>>)
    %dma_wait3A_207 = arith.constant 1 : i32
    %dma_wait3A_208 = arith.constant 0 : i32
    %dma_wait3A_209 = arith.constant 0 : i32
    %dma_wait3A_210 = tpu.memref_slice %arg6[%dma_wait3A_207, %dma_wait3A_208, %dma_wait3A_209] : memref<2x56x1024xf32, #tpu.memory_space<vmem>> -> memref<1x56x1024xf32, #tpu.memory_space<vmem>>
    %dma_wait3A_211 = tpu.memref_squeeze %dma_wait3A_210 : memref<1x56x1024xf32, #tpu.memory_space<vmem>> -> memref<56x1024xf32, #tpu.memory_space<vmem>>
    %dma_wait3A_212 = arith.constant 168 : i32
    %dma_wait3A_213 = tpu.memref_slice %arg5[%dma_wait3A_212] : memref<512xi32, #tpu.memory_space<vmem>> -> memref<56xi32, #tpu.memory_space<vmem>>
    %dma_wait3A_214 = arith.constant 0 : i32
    %dma_wait3A_215 = arith.constant 0 : i32
    %dma_wait3A_216 = tpu.memref_slice %arg3[%dma_wait3A_214, %dma_wait3A_215] : memref<50257x1024xf32, #tpu.memory_space<hbm>> -> memref<50257x1024xf32, #tpu.memory_space<hbm>>
    tpu.wait_indirect_dma semaphore(%arg8 : memref<!tpu.dma_semaphore, #tpu.memory_space<semaphore_mem>>) src(%dma_wait3A_216 : memref<50257x1024xf32, #tpu.memory_space<hbm>>) dst(%dma_wait3A_211 : memref<56x1024xf32, #tpu.memory_space<vmem>>)
    %add3A_217 = arith.constant 168 : i32
    %add3A_218 = arith.addi %mul3A_32, %add3A_217 : i32
    %dma_start3A_219 = arith.constant 1 : i32
    %dma_start3A_220 = arith.constant 0 : i32
    %dma_start3A_221 = arith.constant 0 : i32
    %dma_start3A_222 = tpu.memref_slice %arg6[%dma_start3A_219, %dma_start3A_220, %dma_start3A_221] : memref<2x56x1024xf32, #tpu.memory_space<vmem>> -> memref<1x56x1024xf32, #tpu.memory_space<vmem>>
    %dma_start3A_223 = tpu.memref_squeeze %dma_start3A_222 : memref<1x56x1024xf32, #tpu.memory_space<vmem>> -> memref<56x1024xf32, #tpu.memory_space<vmem>>
    %dma_start3A_224 = arith.constant 0 : i32
    %dma_start3A_225 = tpu.memref_slice %arg4[%select_n3A, %add3A_218, %dma_start3A_224] : memref<4x4096x1024xf32, #tpu.memory_space<hbm>> -> memref<1x56x1024xf32, #tpu.memory_space<hbm>>
    %dma_start3A_226 = tpu.memref_squeeze %dma_start3A_225 : memref<1x56x1024xf32, #tpu.memory_space<hbm>> -> memref<56x1024xf32, #tpu.memory_space<hbm>>
    %dma_start3A_227 = arith.constant 0 : i32
    %dma_start3A_228 = tpu.memref_slice %arg4[%select_n3A, %add3A_218, %dma_start3A_227] : memref<4x4096x1024xf32, #tpu.memory_space<hbm>> -> memref<1x56x1024xf32, #tpu.memory_space<hbm>>
    %dma_start3A_229 = tpu.memref_squeeze %dma_start3A_228 : memref<1x56x1024xf32, #tpu.memory_space<hbm>> -> memref<56x1024xf32, #tpu.memory_space<hbm>>
    %dma_start3A_230 = arith.constant 0 : i32
    %dma_start3A_231 = arith.constant 0 : i32
    %dma_start3A_232 = tpu.memref_slice %arg6[%dma_start3A_219, %dma_start3A_230, %dma_start3A_231] : memref<2x56x1024xf32, #tpu.memory_space<vmem>> -> memref<1x56x1024xf32, #tpu.memory_space<vmem>>
    %dma_start3A_233 = tpu.memref_squeeze %dma_start3A_232 : memref<1x56x1024xf32, #tpu.memory_space<vmem>> -> memref<56x1024xf32, #tpu.memory_space<vmem>>
    tpu.enqueue_dma source(%dma_start3A_233 : memref<56x1024xf32, #tpu.memory_space<vmem>>) target(%dma_start3A_229 : memref<56x1024xf32, #tpu.memory_space<hbm>>) target_semaphore(%arg10 : memref<!tpu.dma_semaphore, #tpu.memory_space<semaphore_mem>>)
    %dma_wait3A_234 = arith.constant 1 : i32
    %dma_wait3A_235 = arith.constant 0 : i32
    %dma_wait3A_236 = arith.constant 0 : i32
    %dma_wait3A_237 = tpu.memref_slice %arg6[%dma_wait3A_234, %dma_wait3A_235, %dma_wait3A_236] : memref<2x56x1024xf32, #tpu.memory_space<vmem>> -> memref<1x56x1024xf32, #tpu.memory_space<vmem>>
    %dma_wait3A_238 = tpu.memref_squeeze %dma_wait3A_237 : memref<1x56x1024xf32, #tpu.memory_space<vmem>> -> memref<56x1024xf32, #tpu.memory_space<vmem>>
    %dma_wait3A_239 = arith.constant 0 : i32
    %dma_wait3A_240 = tpu.memref_slice %arg4[%select_n3A, %add3A_218, %dma_wait3A_239] : memref<4x4096x1024xf32, #tpu.memory_space<hbm>> -> memref<1x56x1024xf32, #tpu.memory_space<hbm>>
    %dma_wait3A_241 = tpu.memref_squeeze %dma_wait3A_240 : memref<1x56x1024xf32, #tpu.memory_space<hbm>> -> memref<56x1024xf32, #tpu.memory_space<hbm>>
    %dma_wait3A_242 = arith.constant 0 : i32
    %dma_wait3A_243 = tpu.memref_slice %arg4[%select_n3A, %add3A_218, %dma_wait3A_242] : memref<4x4096x1024xf32, #tpu.memory_space<hbm>> -> memref<1x56x1024xf32, #tpu.memory_space<hbm>>
    %dma_wait3A_244 = tpu.memref_squeeze %dma_wait3A_243 : memref<1x56x1024xf32, #tpu.memory_space<hbm>> -> memref<56x1024xf32, #tpu.memory_space<hbm>>
    %dma_wait3A_245 = arith.constant 0 : i32
    %dma_wait3A_246 = arith.constant 0 : i32
    %dma_wait3A_247 = tpu.memref_slice %arg6[%dma_wait3A_234, %dma_wait3A_245, %dma_wait3A_246] : memref<2x56x1024xf32, #tpu.memory_space<vmem>> -> memref<1x56x1024xf32, #tpu.memory_space<vmem>>
    %dma_wait3A_248 = tpu.memref_squeeze %dma_wait3A_247 : memref<1x56x1024xf32, #tpu.memory_space<vmem>> -> memref<56x1024xf32, #tpu.memory_space<vmem>>
    tpu.wait_dma2 semaphore(%arg10 : memref<!tpu.dma_semaphore, #tpu.memory_space<semaphore_mem>>) src(%dma_wait3A_248 : memref<56x1024xf32, #tpu.memory_space<vmem>>) dst(%dma_wait3A_244 : memref<56x1024xf32, #tpu.memory_space<hbm>>)
    %dma_start3A_249 = arith.constant 1 : i32
    %dma_start3A_250 = arith.constant 0 : i32
    %dma_start3A_251 = arith.constant 0 : i32
    %dma_start3A_252 = tpu.memref_slice %arg6[%dma_start3A_249, %dma_start3A_250, %dma_start3A_251] : memref<2x56x1024xf32, #tpu.memory_space<vmem>> -> memref<1x56x1024xf32, #tpu.memory_space<vmem>>
    %dma_start3A_253 = tpu.memref_squeeze %dma_start3A_252 : memref<1x56x1024xf32, #tpu.memory_space<vmem>> -> memref<56x1024xf32, #tpu.memory_space<vmem>>
    %dma_start3A_254 = arith.constant 280 : i32
    %dma_start3A_255 = tpu.memref_slice %arg5[%dma_start3A_254] : memref<512xi32, #tpu.memory_space<vmem>> -> memref<56xi32, #tpu.memory_space<vmem>>
    %dma_start3A_256 = arith.constant 0 : i32
    %dma_start3A_257 = arith.constant 0 : i32
    %dma_start3A_258 = tpu.memref_slice %arg3[%dma_start3A_256, %dma_start3A_257] : memref<50257x1024xf32, #tpu.memory_space<hbm>> -> memref<50257x1024xf32, #tpu.memory_space<hbm>>
    tpu.enqueue_indirect_dma source(%dma_start3A_258 : memref<50257x1024xf32, #tpu.memory_space<hbm>>) target(%dma_start3A_253 : memref<56x1024xf32, #tpu.memory_space<vmem>>) offsets(%dma_start3A_255 : memref<56xi32, #tpu.memory_space<vmem>>) semaphore(%arg8 : memref<!tpu.dma_semaphore, #tpu.memory_space<semaphore_mem>>)
    %dma_wait3A_259 = arith.constant 0 : i32
    %dma_wait3A_260 = arith.constant 0 : i32
    %dma_wait3A_261 = arith.constant 0 : i32
    %dma_wait3A_262 = tpu.memref_slice %arg6[%dma_wait3A_259, %dma_wait3A_260, %dma_wait3A_261] : memref<2x56x1024xf32, #tpu.memory_space<vmem>> -> memref<1x56x1024xf32, #tpu.memory_space<vmem>>
    %dma_wait3A_263 = tpu.memref_squeeze %dma_wait3A_262 : memref<1x56x1024xf32, #tpu.memory_space<vmem>> -> memref<56x1024xf32, #tpu.memory_space<vmem>>
    %dma_wait3A_264 = arith.constant 224 : i32
    %dma_wait3A_265 = tpu.memref_slice %arg5[%dma_wait3A_264] : memref<512xi32, #tpu.memory_space<vmem>> -> memref<56xi32, #tpu.memory_space<vmem>>
    %dma_wait3A_266 = arith.constant 0 : i32
    %dma_wait3A_267 = arith.constant 0 : i32
    %dma_wait3A_268 = tpu.memref_slice %arg3[%dma_wait3A_266, %dma_wait3A_267] : memref<50257x1024xf32, #tpu.memory_space<hbm>> -> memref<50257x1024xf32, #tpu.memory_space<hbm>>
    tpu.wait_indirect_dma semaphore(%arg7 : memref<!tpu.dma_semaphore, #tpu.memory_space<semaphore_mem>>) src(%dma_wait3A_268 : memref<50257x1024xf32, #tpu.memory_space<hbm>>) dst(%dma_wait3A_263 : memref<56x1024xf32, #tpu.memory_space<vmem>>)
    %add3A_269 = arith.constant 224 : i32
    %add3A_270 = arith.addi %mul3A_32, %add3A_269 : i32
    %dma_start3A_271 = arith.constant 0 : i32
    %dma_start3A_272 = arith.constant 0 : i32
    %dma_start3A_273 = arith.constant 0 : i32
    %dma_start3A_274 = tpu.memref_slice %arg6[%dma_start3A_271, %dma_start3A_272, %dma_start3A_273] : memref<2x56x1024xf32, #tpu.memory_space<vmem>> -> memref<1x56x1024xf32, #tpu.memory_space<vmem>>
    %dma_start3A_275 = tpu.memref_squeeze %dma_start3A_274 : memref<1x56x1024xf32, #tpu.memory_space<vmem>> -> memref<56x1024xf32, #tpu.memory_space<vmem>>
    %dma_start3A_276 = arith.constant 0 : i32
    %dma_start3A_277 = tpu.memref_slice %arg4[%select_n3A, %add3A_270, %dma_start3A_276] : memref<4x4096x1024xf32, #tpu.memory_space<hbm>> -> memref<1x56x1024xf32, #tpu.memory_space<hbm>>
    %dma_start3A_278 = tpu.memref_squeeze %dma_start3A_277 : memref<1x56x1024xf32, #tpu.memory_space<hbm>> -> memref<56x1024xf32, #tpu.memory_space<hbm>>
    %dma_start3A_279 = arith.constant 0 : i32
    %dma_start3A_280 = tpu.memref_slice %arg4[%select_n3A, %add3A_270, %dma_start3A_279] : memref<4x4096x1024xf32, #tpu.memory_space<hbm>> -> memref<1x56x1024xf32, #tpu.memory_space<hbm>>
    %dma_start3A_281 = tpu.memref_squeeze %dma_start3A_280 : memref<1x56x1024xf32, #tpu.memory_space<hbm>> -> memref<56x1024xf32, #tpu.memory_space<hbm>>
    %dma_start3A_282 = arith.constant 0 : i32
    %dma_start3A_283 = arith.constant 0 : i32
    %dma_start3A_284 = tpu.memref_slice %arg6[%dma_start3A_271, %dma_start3A_282, %dma_start3A_283] : memref<2x56x1024xf32, #tpu.memory_space<vmem>> -> memref<1x56x1024xf32, #tpu.memory_space<vmem>>
    %dma_start3A_285 = tpu.memref_squeeze %dma_start3A_284 : memref<1x56x1024xf32, #tpu.memory_space<vmem>> -> memref<56x1024xf32, #tpu.memory_space<vmem>>
    tpu.enqueue_dma source(%dma_start3A_285 : memref<56x1024xf32, #tpu.memory_space<vmem>>) target(%dma_start3A_281 : memref<56x1024xf32, #tpu.memory_space<hbm>>) target_semaphore(%arg9 : memref<!tpu.dma_semaphore, #tpu.memory_space<semaphore_mem>>)
    %dma_wait3A_286 = arith.constant 0 : i32
    %dma_wait3A_287 = arith.constant 0 : i32
    %dma_wait3A_288 = arith.constant 0 : i32
    %dma_wait3A_289 = tpu.memref_slice %arg6[%dma_wait3A_286, %dma_wait3A_287, %dma_wait3A_288] : memref<2x56x1024xf32, #tpu.memory_space<vmem>> -> memref<1x56x1024xf32, #tpu.memory_space<vmem>>
    %dma_wait3A_290 = tpu.memref_squeeze %dma_wait3A_289 : memref<1x56x1024xf32, #tpu.memory_space<vmem>> -> memref<56x1024xf32, #tpu.memory_space<vmem>>
    %dma_wait3A_291 = arith.constant 0 : i32
    %dma_wait3A_292 = tpu.memref_slice %arg4[%select_n3A, %add3A_270, %dma_wait3A_291] : memref<4x4096x1024xf32, #tpu.memory_space<hbm>> -> memref<1x56x1024xf32, #tpu.memory_space<hbm>>
    %dma_wait3A_293 = tpu.memref_squeeze %dma_wait3A_292 : memref<1x56x1024xf32, #tpu.memory_space<hbm>> -> memref<56x1024xf32, #tpu.memory_space<hbm>>
    %dma_wait3A_294 = arith.constant 0 : i32
    %dma_wait3A_295 = tpu.memref_slice %arg4[%select_n3A, %add3A_270, %dma_wait3A_294] : memref<4x4096x1024xf32, #tpu.memory_space<hbm>> -> memref<1x56x1024xf32, #tpu.memory_space<hbm>>
    %dma_wait3A_296 = tpu.memref_squeeze %dma_wait3A_295 : memref<1x56x1024xf32, #tpu.memory_space<hbm>> -> memref<56x1024xf32, #tpu.memory_space<hbm>>
    %dma_wait3A_297 = arith.constant 0 : i32
    %dma_wait3A_298 = arith.constant 0 : i32
    %dma_wait3A_299 = tpu.memref_slice %arg6[%dma_wait3A_286, %dma_wait3A_297, %dma_wait3A_298] : memref<2x56x1024xf32, #tpu.memory_space<vmem>> -> memref<1x56x1024xf32, #tpu.memory_space<vmem>>
    %dma_wait3A_300 = tpu.memref_squeeze %dma_wait3A_299 : memref<1x56x1024xf32, #tpu.memory_space<vmem>> -> memref<56x1024xf32, #tpu.memory_space<vmem>>
    tpu.wait_dma2 semaphore(%arg9 : memref<!tpu.dma_semaphore, #tpu.memory_space<semaphore_mem>>) src(%dma_wait3A_300 : memref<56x1024xf32, #tpu.memory_space<vmem>>) dst(%dma_wait3A_296 : memref<56x1024xf32, #tpu.memory_space<hbm>>)
    %dma_start3A_301 = arith.constant 0 : i32
    %dma_start3A_302 = arith.constant 0 : i32
    %dma_start3A_303 = arith.constant 0 : i32
    %dma_start3A_304 = tpu.memref_slice %arg6[%dma_start3A_301, %dma_start3A_302, %dma_start3A_303] : memref<2x56x1024xf32, #tpu.memory_space<vmem>> -> memref<1x56x1024xf32, #tpu.memory_space<vmem>>
    %dma_start3A_305 = tpu.memref_squeeze %dma_start3A_304 : memref<1x56x1024xf32, #tpu.memory_space<vmem>> -> memref<56x1024xf32, #tpu.memory_space<vmem>>
    %dma_start3A_306 = arith.constant 336 : i32
    %dma_start3A_307 = tpu.memref_slice %arg5[%dma_start3A_306] : memref<512xi32, #tpu.memory_space<vmem>> -> memref<56xi32, #tpu.memory_space<vmem>>
    %dma_start3A_308 = arith.constant 0 : i32
    %dma_start3A_309 = arith.constant 0 : i32
    %dma_start3A_310 = tpu.memref_slice %arg3[%dma_start3A_308, %dma_start3A_309] : memref<50257x1024xf32, #tpu.memory_space<hbm>> -> memref<50257x1024xf32, #tpu.memory_space<hbm>>
    tpu.enqueue_indirect_dma source(%dma_start3A_310 : memref<50257x1024xf32, #tpu.memory_space<hbm>>) target(%dma_start3A_305 : memref<56x1024xf32, #tpu.memory_space<vmem>>) offsets(%dma_start3A_307 : memref<56xi32, #tpu.memory_space<vmem>>) semaphore(%arg7 : memref<!tpu.dma_semaphore, #tpu.memory_space<semaphore_mem>>)
    %dma_wait3A_311 = arith.constant 1 : i32
    %dma_wait3A_312 = arith.constant 0 : i32
    %dma_wait3A_313 = arith.constant 0 : i32
    %dma_wait3A_314 = tpu.memref_slice %arg6[%dma_wait3A_311, %dma_wait3A_312, %dma_wait3A_313] : memref<2x56x1024xf32, #tpu.memory_space<vmem>> -> memref<1x56x1024xf32, #tpu.memory_space<vmem>>
    %dma_wait3A_315 = tpu.memref_squeeze %dma_wait3A_314 : memref<1x56x1024xf32, #tpu.memory_space<vmem>> -> memref<56x1024xf32, #tpu.memory_space<vmem>>
    %dma_wait3A_316 = arith.constant 280 : i32
    %dma_wait3A_317 = tpu.memref_slice %arg5[%dma_wait3A_316] : memref<512xi32, #tpu.memory_space<vmem>> -> memref<56xi32, #tpu.memory_space<vmem>>
    %dma_wait3A_318 = arith.constant 0 : i32
    %dma_wait3A_319 = arith.constant 0 : i32
    %dma_wait3A_320 = tpu.memref_slice %arg3[%dma_wait3A_318, %dma_wait3A_319] : memref<50257x1024xf32, #tpu.memory_space<hbm>> -> memref<50257x1024xf32, #tpu.memory_space<hbm>>
    tpu.wait_indirect_dma semaphore(%arg8 : memref<!tpu.dma_semaphore, #tpu.memory_space<semaphore_mem>>) src(%dma_wait3A_320 : memref<50257x1024xf32, #tpu.memory_space<hbm>>) dst(%dma_wait3A_315 : memref<56x1024xf32, #tpu.memory_space<vmem>>)
    %add3A_321 = arith.constant 280 : i32
    %add3A_322 = arith.addi %mul3A_32, %add3A_321 : i32
    %dma_start3A_323 = arith.constant 1 : i32
    %dma_start3A_324 = arith.constant 0 : i32
    %dma_start3A_325 = arith.constant 0 : i32
    %dma_start3A_326 = tpu.memref_slice %arg6[%dma_start3A_323, %dma_start3A_324, %dma_start3A_325] : memref<2x56x1024xf32, #tpu.memory_space<vmem>> -> memref<1x56x1024xf32, #tpu.memory_space<vmem>>
    %dma_start3A_327 = tpu.memref_squeeze %dma_start3A_326 : memref<1x56x1024xf32, #tpu.memory_space<vmem>> -> memref<56x1024xf32, #tpu.memory_space<vmem>>
    %dma_start3A_328 = arith.constant 0 : i32
    %dma_start3A_329 = tpu.memref_slice %arg4[%select_n3A, %add3A_322, %dma_start3A_328] : memref<4x4096x1024xf32, #tpu.memory_space<hbm>> -> memref<1x56x1024xf32, #tpu.memory_space<hbm>>
    %dma_start3A_330 = tpu.memref_squeeze %dma_start3A_329 : memref<1x56x1024xf32, #tpu.memory_space<hbm>> -> memref<56x1024xf32, #tpu.memory_space<hbm>>
    %dma_start3A_331 = arith.constant 0 : i32
    %dma_start3A_332 = tpu.memref_slice %arg4[%select_n3A, %add3A_322, %dma_start3A_331] : memref<4x4096x1024xf32, #tpu.memory_space<hbm>> -> memref<1x56x1024xf32, #tpu.memory_space<hbm>>
    %dma_start3A_333 = tpu.memref_squeeze %dma_start3A_332 : memref<1x56x1024xf32, #tpu.memory_space<hbm>> -> memref<56x1024xf32, #tpu.memory_space<hbm>>
    %dma_start3A_334 = arith.constant 0 : i32
    %dma_start3A_335 = arith.constant 0 : i32
    %dma_start3A_336 = tpu.memref_slice %arg6[%dma_start3A_323, %dma_start3A_334, %dma_start3A_335] : memref<2x56x1024xf32, #tpu.memory_space<vmem>> -> memref<1x56x1024xf32, #tpu.memory_space<vmem>>
    %dma_start3A_337 = tpu.memref_squeeze %dma_start3A_336 : memref<1x56x1024xf32, #tpu.memory_space<vmem>> -> memref<56x1024xf32, #tpu.memory_space<vmem>>
    tpu.enqueue_dma source(%dma_start3A_337 : memref<56x1024xf32, #tpu.memory_space<vmem>>) target(%dma_start3A_333 : memref<56x1024xf32, #tpu.memory_space<hbm>>) target_semaphore(%arg10 : memref<!tpu.dma_semaphore, #tpu.memory_space<semaphore_mem>>)
    %dma_wait3A_338 = arith.constant 1 : i32
    %dma_wait3A_339 = arith.constant 0 : i32
    %dma_wait3A_340 = arith.constant 0 : i32
    %dma_wait3A_341 = tpu.memref_slice %arg6[%dma_wait3A_338, %dma_wait3A_339, %dma_wait3A_340] : memref<2x56x1024xf32, #tpu.memory_space<vmem>> -> memref<1x56x1024xf32, #tpu.memory_space<vmem>>
    %dma_wait3A_342 = tpu.memref_squeeze %dma_wait3A_341 : memref<1x56x1024xf32, #tpu.memory_space<vmem>> -> memref<56x1024xf32, #tpu.memory_space<vmem>>
    %dma_wait3A_343 = arith.constant 0 : i32
    %dma_wait3A_344 = tpu.memref_slice %arg4[%select_n3A, %add3A_322, %dma_wait3A_343] : memref<4x4096x1024xf32, #tpu.memory_space<hbm>> -> memref<1x56x1024xf32, #tpu.memory_space<hbm>>
    %dma_wait3A_345 = tpu.memref_squeeze %dma_wait3A_344 : memref<1x56x1024xf32, #tpu.memory_space<hbm>> -> memref<56x1024xf32, #tpu.memory_space<hbm>>
    %dma_wait3A_346 = arith.constant 0 : i32
    %dma_wait3A_347 = tpu.memref_slice %arg4[%select_n3A, %add3A_322, %dma_wait3A_346] : memref<4x4096x1024xf32, #tpu.memory_space<hbm>> -> memref<1x56x1024xf32, #tpu.memory_space<hbm>>
    %dma_wait3A_348 = tpu.memref_squeeze %dma_wait3A_347 : memref<1x56x1024xf32, #tpu.memory_space<hbm>> -> memref<56x1024xf32, #tpu.memory_space<hbm>>
    %dma_wait3A_349 = arith.constant 0 : i32
    %dma_wait3A_350 = arith.constant 0 : i32
    %dma_wait3A_351 = tpu.memref_slice %arg6[%dma_wait3A_338, %dma_wait3A_349, %dma_wait3A_350] : memref<2x56x1024xf32, #tpu.memory_space<vmem>> -> memref<1x56x1024xf32, #tpu.memory_space<vmem>>
    %dma_wait3A_352 = tpu.memref_squeeze %dma_wait3A_351 : memref<1x56x1024xf32, #tpu.memory_space<vmem>> -> memref<56x1024xf32, #tpu.memory_space<vmem>>
    tpu.wait_dma2 semaphore(%arg10 : memref<!tpu.dma_semaphore, #tpu.memory_space<semaphore_mem>>) src(%dma_wait3A_352 : memref<56x1024xf32, #tpu.memory_space<vmem>>) dst(%dma_wait3A_348 : memref<56x1024xf32, #tpu.memory_space<hbm>>)
    %dma_start3A_353 = arith.constant 1 : i32
    %dma_start3A_354 = arith.constant 0 : i32
    %dma_start3A_355 = arith.constant 0 : i32
    %dma_start3A_356 = tpu.memref_slice %arg6[%dma_start3A_353, %dma_start3A_354, %dma_start3A_355] : memref<2x56x1024xf32, #tpu.memory_space<vmem>> -> memref<1x56x1024xf32, #tpu.memory_space<vmem>>
    %dma_start3A_357 = tpu.memref_squeeze %dma_start3A_356 : memref<1x56x1024xf32, #tpu.memory_space<vmem>> -> memref<56x1024xf32, #tpu.memory_space<vmem>>
    %dma_start3A_358 = arith.constant 392 : i32
    %dma_start3A_359 = tpu.memref_slice %arg5[%dma_start3A_358] : memref<512xi32, #tpu.memory_space<vmem>> -> memref<56xi32, #tpu.memory_space<vmem>>
    %dma_start3A_360 = arith.constant 0 : i32
    %dma_start3A_361 = arith.constant 0 : i32
    %dma_start3A_362 = tpu.memref_slice %arg3[%dma_start3A_360, %dma_start3A_361] : memref<50257x1024xf32, #tpu.memory_space<hbm>> -> memref<50257x1024xf32, #tpu.memory_space<hbm>>
    tpu.enqueue_indirect_dma source(%dma_start3A_362 : memref<50257x1024xf32, #tpu.memory_space<hbm>>) target(%dma_start3A_357 : memref<56x1024xf32, #tpu.memory_space<vmem>>) offsets(%dma_start3A_359 : memref<56xi32, #tpu.memory_space<vmem>>) semaphore(%arg8 : memref<!tpu.dma_semaphore, #tpu.memory_space<semaphore_mem>>)
    %dma_wait3A_363 = arith.constant 0 : i32
    %dma_wait3A_364 = arith.constant 0 : i32
    %dma_wait3A_365 = arith.constant 0 : i32
    %dma_wait3A_366 = tpu.memref_slice %arg6[%dma_wait3A_363, %dma_wait3A_364, %dma_wait3A_365] : memref<2x56x1024xf32, #tpu.memory_space<vmem>> -> memref<1x56x1024xf32, #tpu.memory_space<vmem>>
    %dma_wait3A_367 = tpu.memref_squeeze %dma_wait3A_366 : memref<1x56x1024xf32, #tpu.memory_space<vmem>> -> memref<56x1024xf32, #tpu.memory_space<vmem>>
    %dma_wait3A_368 = arith.constant 336 : i32
    %dma_wait3A_369 = tpu.memref_slice %arg5[%dma_wait3A_368] : memref<512xi32, #tpu.memory_space<vmem>> -> memref<56xi32, #tpu.memory_space<vmem>>
    %dma_wait3A_370 = arith.constant 0 : i32
    %dma_wait3A_371 = arith.constant 0 : i32
    %dma_wait3A_372 = tpu.memref_slice %arg3[%dma_wait3A_370, %dma_wait3A_371] : memref<50257x1024xf32, #tpu.memory_space<hbm>> -> memref<50257x1024xf32, #tpu.memory_space<hbm>>
    tpu.wait_indirect_dma semaphore(%arg7 : memref<!tpu.dma_semaphore, #tpu.memory_space<semaphore_mem>>) src(%dma_wait3A_372 : memref<50257x1024xf32, #tpu.memory_space<hbm>>) dst(%dma_wait3A_367 : memref<56x1024xf32, #tpu.memory_space<vmem>>)
    %add3A_373 = arith.constant 336 : i32
    %add3A_374 = arith.addi %mul3A_32, %add3A_373 : i32
    %dma_start3A_375 = arith.constant 0 : i32
    %dma_start3A_376 = arith.constant 0 : i32
    %dma_start3A_377 = arith.constant 0 : i32
    %dma_start3A_378 = tpu.memref_slice %arg6[%dma_start3A_375, %dma_start3A_376, %dma_start3A_377] : memref<2x56x1024xf32, #tpu.memory_space<vmem>> -> memref<1x56x1024xf32, #tpu.memory_space<vmem>>
    %dma_start3A_379 = tpu.memref_squeeze %dma_start3A_378 : memref<1x56x1024xf32, #tpu.memory_space<vmem>> -> memref<56x1024xf32, #tpu.memory_space<vmem>>
    %dma_start3A_380 = arith.constant 0 : i32
    %dma_start3A_381 = tpu.memref_slice %arg4[%select_n3A, %add3A_374, %dma_start3A_380] : memref<4x4096x1024xf32, #tpu.memory_space<hbm>> -> memref<1x56x1024xf32, #tpu.memory_space<hbm>>
    %dma_start3A_382 = tpu.memref_squeeze %dma_start3A_381 : memref<1x56x1024xf32, #tpu.memory_space<hbm>> -> memref<56x1024xf32, #tpu.memory_space<hbm>>
    %dma_start3A_383 = arith.constant 0 : i32
    %dma_start3A_384 = tpu.memref_slice %arg4[%select_n3A, %add3A_374, %dma_start3A_383] : memref<4x4096x1024xf32, #tpu.memory_space<hbm>> -> memref<1x56x1024xf32, #tpu.memory_space<hbm>>
    %dma_start3A_385 = tpu.memref_squeeze %dma_start3A_384 : memref<1x56x1024xf32, #tpu.memory_space<hbm>> -> memref<56x1024xf32, #tpu.memory_space<hbm>>
    %dma_start3A_386 = arith.constant 0 : i32
    %dma_start3A_387 = arith.constant 0 : i32
    %dma_start3A_388 = tpu.memref_slice %arg6[%dma_start3A_375, %dma_start3A_386, %dma_start3A_387] : memref<2x56x1024xf32, #tpu.memory_space<vmem>> -> memref<1x56x1024xf32, #tpu.memory_space<vmem>>
    %dma_start3A_389 = tpu.memref_squeeze %dma_start3A_388 : memref<1x56x1024xf32, #tpu.memory_space<vmem>> -> memref<56x1024xf32, #tpu.memory_space<vmem>>
    tpu.enqueue_dma source(%dma_start3A_389 : memref<56x1024xf32, #tpu.memory_space<vmem>>) target(%dma_start3A_385 : memref<56x1024xf32, #tpu.memory_space<hbm>>) target_semaphore(%arg9 : memref<!tpu.dma_semaphore, #tpu.memory_space<semaphore_mem>>)
    %dma_wait3A_390 = arith.constant 0 : i32
    %dma_wait3A_391 = arith.constant 0 : i32
    %dma_wait3A_392 = arith.constant 0 : i32
    %dma_wait3A_393 = tpu.memref_slice %arg6[%dma_wait3A_390, %dma_wait3A_391, %dma_wait3A_392] : memref<2x56x1024xf32, #tpu.memory_space<vmem>> -> memref<1x56x1024xf32, #tpu.memory_space<vmem>>
    %dma_wait3A_394 = tpu.memref_squeeze %dma_wait3A_393 : memref<1x56x1024xf32, #tpu.memory_space<vmem>> -> memref<56x1024xf32, #tpu.memory_space<vmem>>
    %dma_wait3A_395 = arith.constant 0 : i32
    %dma_wait3A_396 = tpu.memref_slice %arg4[%select_n3A, %add3A_374, %dma_wait3A_395] : memref<4x4096x1024xf32, #tpu.memory_space<hbm>> -> memref<1x56x1024xf32, #tpu.memory_space<hbm>>
    %dma_wait3A_397 = tpu.memref_squeeze %dma_wait3A_396 : memref<1x56x1024xf32, #tpu.memory_space<hbm>> -> memref<56x1024xf32, #tpu.memory_space<hbm>>
    %dma_wait3A_398 = arith.constant 0 : i32
    %dma_wait3A_399 = tpu.memref_slice %arg4[%select_n3A, %add3A_374, %dma_wait3A_398] : memref<4x4096x1024xf32, #tpu.memory_space<hbm>> -> memref<1x56x1024xf32, #tpu.memory_space<hbm>>
    %dma_wait3A_400 = tpu.memref_squeeze %dma_wait3A_399 : memref<1x56x1024xf32, #tpu.memory_space<hbm>> -> memref<56x1024xf32, #tpu.memory_space<hbm>>
    %dma_wait3A_401 = arith.constant 0 : i32
    %dma_wait3A_402 = arith.constant 0 : i32
    %dma_wait3A_403 = tpu.memref_slice %arg6[%dma_wait3A_390, %dma_wait3A_401, %dma_wait3A_402] : memref<2x56x1024xf32, #tpu.memory_space<vmem>> -> memref<1x56x1024xf32, #tpu.memory_space<vmem>>
    %dma_wait3A_404 = tpu.memref_squeeze %dma_wait3A_403 : memref<1x56x1024xf32, #tpu.memory_space<vmem>> -> memref<56x1024xf32, #tpu.memory_space<vmem>>
    tpu.wait_dma2 semaphore(%arg9 : memref<!tpu.dma_semaphore, #tpu.memory_space<semaphore_mem>>) src(%dma_wait3A_404 : memref<56x1024xf32, #tpu.memory_space<vmem>>) dst(%dma_wait3A_400 : memref<56x1024xf32, #tpu.memory_space<hbm>>)
    %dma_start3A_405 = arith.constant 0 : i32
    %dma_start3A_406 = arith.constant 0 : i32
    %dma_start3A_407 = arith.constant 0 : i32
    %dma_start3A_408 = tpu.memref_slice %arg6[%dma_start3A_405, %dma_start3A_406, %dma_start3A_407] : memref<2x56x1024xf32, #tpu.memory_space<vmem>> -> memref<1x56x1024xf32, #tpu.memory_space<vmem>>
    %dma_start3A_409 = tpu.memref_squeeze %dma_start3A_408 : memref<1x56x1024xf32, #tpu.memory_space<vmem>> -> memref<56x1024xf32, #tpu.memory_space<vmem>>
    %dma_start3A_410 = arith.constant 448 : i32
    %dma_start3A_411 = tpu.memref_slice %arg5[%dma_start3A_410] : memref<512xi32, #tpu.memory_space<vmem>> -> memref<56xi32, #tpu.memory_space<vmem>>
    %dma_start3A_412 = arith.constant 0 : i32
    %dma_start3A_413 = arith.constant 0 : i32
    %dma_start3A_414 = tpu.memref_slice %arg3[%dma_start3A_412, %dma_start3A_413] : memref<50257x1024xf32, #tpu.memory_space<hbm>> -> memref<50257x1024xf32, #tpu.memory_space<hbm>>
    tpu.enqueue_indirect_dma source(%dma_start3A_414 : memref<50257x1024xf32, #tpu.memory_space<hbm>>) target(%dma_start3A_409 : memref<56x1024xf32, #tpu.memory_space<vmem>>) offsets(%dma_start3A_411 : memref<56xi32, #tpu.memory_space<vmem>>) semaphore(%arg7 : memref<!tpu.dma_semaphore, #tpu.memory_space<semaphore_mem>>)
    %dma_wait3A_415 = arith.constant 1 : i32
    %dma_wait3A_416 = arith.constant 0 : i32
    %dma_wait3A_417 = arith.constant 0 : i32
    %dma_wait3A_418 = tpu.memref_slice %arg6[%dma_wait3A_415, %dma_wait3A_416, %dma_wait3A_417] : memref<2x56x1024xf32, #tpu.memory_space<vmem>> -> memref<1x56x1024xf32, #tpu.memory_space<vmem>>
    %dma_wait3A_419 = tpu.memref_squeeze %dma_wait3A_418 : memref<1x56x1024xf32, #tpu.memory_space<vmem>> -> memref<56x1024xf32, #tpu.memory_space<vmem>>
    %dma_wait3A_420 = arith.constant 392 : i32
    %dma_wait3A_421 = tpu.memref_slice %arg5[%dma_wait3A_420] : memref<512xi32, #tpu.memory_space<vmem>> -> memref<56xi32, #tpu.memory_space<vmem>>
    %dma_wait3A_422 = arith.constant 0 : i32
    %dma_wait3A_423 = arith.constant 0 : i32
    %dma_wait3A_424 = tpu.memref_slice %arg3[%dma_wait3A_422, %dma_wait3A_423] : memref<50257x1024xf32, #tpu.memory_space<hbm>> -> memref<50257x1024xf32, #tpu.memory_space<hbm>>
    tpu.wait_indirect_dma semaphore(%arg8 : memref<!tpu.dma_semaphore, #tpu.memory_space<semaphore_mem>>) src(%dma_wait3A_424 : memref<50257x1024xf32, #tpu.memory_space<hbm>>) dst(%dma_wait3A_419 : memref<56x1024xf32, #tpu.memory_space<vmem>>)
    %add3A_425 = arith.constant 392 : i32
    %add3A_426 = arith.addi %mul3A_32, %add3A_425 : i32
    %dma_start3A_427 = arith.constant 1 : i32
    %dma_start3A_428 = arith.constant 0 : i32
    %dma_start3A_429 = arith.constant 0 : i32
    %dma_start3A_430 = tpu.memref_slice %arg6[%dma_start3A_427, %dma_start3A_428, %dma_start3A_429] : memref<2x56x1024xf32, #tpu.memory_space<vmem>> -> memref<1x56x1024xf32, #tpu.memory_space<vmem>>
    %dma_start3A_431 = tpu.memref_squeeze %dma_start3A_430 : memref<1x56x1024xf32, #tpu.memory_space<vmem>> -> memref<56x1024xf32, #tpu.memory_space<vmem>>
    %dma_start3A_432 = arith.constant 0 : i32
    %dma_start3A_433 = tpu.memref_slice %arg4[%select_n3A, %add3A_426, %dma_start3A_432] : memref<4x4096x1024xf32, #tpu.memory_space<hbm>> -> memref<1x56x1024xf32, #tpu.memory_space<hbm>>
    %dma_start3A_434 = tpu.memref_squeeze %dma_start3A_433 : memref<1x56x1024xf32, #tpu.memory_space<hbm>> -> memref<56x1024xf32, #tpu.memory_space<hbm>>
    %dma_start3A_435 = arith.constant 0 : i32
    %dma_start3A_436 = tpu.memref_slice %arg4[%select_n3A, %add3A_426, %dma_start3A_435] : memref<4x4096x1024xf32, #tpu.memory_space<hbm>> -> memref<1x56x1024xf32, #tpu.memory_space<hbm>>
    %dma_start3A_437 = tpu.memref_squeeze %dma_start3A_436 : memref<1x56x1024xf32, #tpu.memory_space<hbm>> -> memref<56x1024xf32, #tpu.memory_space<hbm>>
    %dma_start3A_438 = arith.constant 0 : i32
    %dma_start3A_439 = arith.constant 0 : i32
    %dma_start3A_440 = tpu.memref_slice %arg6[%dma_start3A_427, %dma_start3A_438, %dma_start3A_439] : memref<2x56x1024xf32, #tpu.memory_space<vmem>> -> memref<1x56x1024xf32, #tpu.memory_space<vmem>>
    %dma_start3A_441 = tpu.memref_squeeze %dma_start3A_440 : memref<1x56x1024xf32, #tpu.memory_space<vmem>> -> memref<56x1024xf32, #tpu.memory_space<vmem>>
    tpu.enqueue_dma source(%dma_start3A_441 : memref<56x1024xf32, #tpu.memory_space<vmem>>) target(%dma_start3A_437 : memref<56x1024xf32, #tpu.memory_space<hbm>>) target_semaphore(%arg10 : memref<!tpu.dma_semaphore, #tpu.memory_space<semaphore_mem>>)
    %dma_wait3A_442 = arith.constant 1 : i32
    %dma_wait3A_443 = arith.constant 0 : i32
    %dma_wait3A_444 = arith.constant 0 : i32
    %dma_wait3A_445 = tpu.memref_slice %arg6[%dma_wait3A_442, %dma_wait3A_443, %dma_wait3A_444] : memref<2x56x1024xf32, #tpu.memory_space<vmem>> -> memref<1x56x1024xf32, #tpu.memory_space<vmem>>
    %dma_wait3A_446 = tpu.memref_squeeze %dma_wait3A_445 : memref<1x56x1024xf32, #tpu.memory_space<vmem>> -> memref<56x1024xf32, #tpu.memory_space<vmem>>
    %dma_wait3A_447 = arith.constant 0 : i32
    %dma_wait3A_448 = tpu.memref_slice %arg4[%select_n3A, %add3A_426, %dma_wait3A_447] : memref<4x4096x1024xf32, #tpu.memory_space<hbm>> -> memref<1x56x1024xf32, #tpu.memory_space<hbm>>
    %dma_wait3A_449 = tpu.memref_squeeze %dma_wait3A_448 : memref<1x56x1024xf32, #tpu.memory_space<hbm>> -> memref<56x1024xf32, #tpu.memory_space<hbm>>
    %dma_wait3A_450 = arith.constant 0 : i32
    %dma_wait3A_451 = tpu.memref_slice %arg4[%select_n3A, %add3A_426, %dma_wait3A_450] : memref<4x4096x1024xf32, #tpu.memory_space<hbm>> -> memref<1x56x1024xf32, #tpu.memory_space<hbm>>
    %dma_wait3A_452 = tpu.memref_squeeze %dma_wait3A_451 : memref<1x56x1024xf32, #tpu.memory_space<hbm>> -> memref<56x1024xf32, #tpu.memory_space<hbm>>
    %dma_wait3A_453 = arith.constant 0 : i32
    %dma_wait3A_454 = arith.constant 0 : i32
    %dma_wait3A_455 = tpu.memref_slice %arg6[%dma_wait3A_442, %dma_wait3A_453, %dma_wait3A_454] : memref<2x56x1024xf32, #tpu.memory_space<vmem>> -> memref<1x56x1024xf32, #tpu.memory_space<vmem>>
    %dma_wait3A_456 = tpu.memref_squeeze %dma_wait3A_455 : memref<1x56x1024xf32, #tpu.memory_space<vmem>> -> memref<56x1024xf32, #tpu.memory_space<vmem>>
    tpu.wait_dma2 semaphore(%arg10 : memref<!tpu.dma_semaphore, #tpu.memory_space<semaphore_mem>>) src(%dma_wait3A_456 : memref<56x1024xf32, #tpu.memory_space<vmem>>) dst(%dma_wait3A_452 : memref<56x1024xf32, #tpu.memory_space<hbm>>)
    %dma_start3A_457 = arith.constant 1 : i32
    %dma_start3A_458 = arith.constant 0 : i32
    %dma_start3A_459 = arith.constant 0 : i32
    %dma_start3A_460 = tpu.memref_slice %arg6[%dma_start3A_457, %dma_start3A_458, %dma_start3A_459] : memref<2x56x1024xf32, #tpu.memory_space<vmem>> -> memref<1x8x1024xf32, #tpu.memory_space<vmem>>
    %dma_start3A_461 = tpu.memref_squeeze %dma_start3A_460 : memref<1x8x1024xf32, #tpu.memory_space<vmem>> -> memref<8x1024xf32, #tpu.memory_space<vmem>>
    %dma_start3A_462 = arith.constant 504 : i32
    %dma_start3A_463 = tpu.memref_slice %arg5[%dma_start3A_462] : memref<512xi32, #tpu.memory_space<vmem>> -> memref<8xi32, #tpu.memory_space<vmem>>
    %dma_start3A_464 = arith.constant 0 : i32
    %dma_start3A_465 = arith.constant 0 : i32
    %dma_start3A_466 = tpu.memref_slice %arg3[%dma_start3A_464, %dma_start3A_465] : memref<50257x1024xf32, #tpu.memory_space<hbm>> -> memref<50257x1024xf32, #tpu.memory_space<hbm>>
    tpu.enqueue_indirect_dma source(%dma_start3A_466 : memref<50257x1024xf32, #tpu.memory_space<hbm>>) target(%dma_start3A_461 : memref<8x1024xf32, #tpu.memory_space<vmem>>) offsets(%dma_start3A_463 : memref<8xi32, #tpu.memory_space<vmem>>) semaphore(%arg8 : memref<!tpu.dma_semaphore, #tpu.memory_space<semaphore_mem>>)
    %dma_wait3A_467 = arith.constant 0 : i32
    %dma_wait3A_468 = arith.constant 0 : i32
    %dma_wait3A_469 = arith.constant 0 : i32
    %dma_wait3A_470 = tpu.memref_slice %arg6[%dma_wait3A_467, %dma_wait3A_468, %dma_wait3A_469] : memref<2x56x1024xf32, #tpu.memory_space<vmem>> -> memref<1x56x1024xf32, #tpu.memory_space<vmem>>
    %dma_wait3A_471 = tpu.memref_squeeze %dma_wait3A_470 : memref<1x56x1024xf32, #tpu.memory_space<vmem>> -> memref<56x1024xf32, #tpu.memory_space<vmem>>
    %dma_wait3A_472 = arith.constant 448 : i32
    %dma_wait3A_473 = tpu.memref_slice %arg5[%dma_wait3A_472] : memref<512xi32, #tpu.memory_space<vmem>> -> memref<56xi32, #tpu.memory_space<vmem>>
    %dma_wait3A_474 = arith.constant 0 : i32
    %dma_wait3A_475 = arith.constant 0 : i32
    %dma_wait3A_476 = tpu.memref_slice %arg3[%dma_wait3A_474, %dma_wait3A_475] : memref<50257x1024xf32, #tpu.memory_space<hbm>> -> memref<50257x1024xf32, #tpu.memory_space<hbm>>
    tpu.wait_indirect_dma semaphore(%arg7 : memref<!tpu.dma_semaphore, #tpu.memory_space<semaphore_mem>>) src(%dma_wait3A_476 : memref<50257x1024xf32, #tpu.memory_space<hbm>>) dst(%dma_wait3A_471 : memref<56x1024xf32, #tpu.memory_space<vmem>>)
    %add3A_477 = arith.constant 448 : i32
    %add3A_478 = arith.addi %mul3A_32, %add3A_477 : i32
    %dma_start3A_479 = arith.constant 0 : i32
    %dma_start3A_480 = arith.constant 0 : i32
    %dma_start3A_481 = arith.constant 0 : i32
    %dma_start3A_482 = tpu.memref_slice %arg6[%dma_start3A_479, %dma_start3A_480, %dma_start3A_481] : memref<2x56x1024xf32, #tpu.memory_space<vmem>> -> memref<1x56x1024xf32, #tpu.memory_space<vmem>>
    %dma_start3A_483 = tpu.memref_squeeze %dma_start3A_482 : memref<1x56x1024xf32, #tpu.memory_space<vmem>> -> memref<56x1024xf32, #tpu.memory_space<vmem>>
    %dma_start3A_484 = arith.constant 0 : i32
    %dma_start3A_485 = tpu.memref_slice %arg4[%select_n3A, %add3A_478, %dma_start3A_484] : memref<4x4096x1024xf32, #tpu.memory_space<hbm>> -> memref<1x56x1024xf32, #tpu.memory_space<hbm>>
    %dma_start3A_486 = tpu.memref_squeeze %dma_start3A_485 : memref<1x56x1024xf32, #tpu.memory_space<hbm>> -> memref<56x1024xf32, #tpu.memory_space<hbm>>
    %dma_start3A_487 = arith.constant 0 : i32
    %dma_start3A_488 = tpu.memref_slice %arg4[%select_n3A, %add3A_478, %dma_start3A_487] : memref<4x4096x1024xf32, #tpu.memory_space<hbm>> -> memref<1x56x1024xf32, #tpu.memory_space<hbm>>
    %dma_start3A_489 = tpu.memref_squeeze %dma_start3A_488 : memref<1x56x1024xf32, #tpu.memory_space<hbm>> -> memref<56x1024xf32, #tpu.memory_space<hbm>>
    %dma_start3A_490 = arith.constant 0 : i32
    %dma_start3A_491 = arith.constant 0 : i32
    %dma_start3A_492 = tpu.memref_slice %arg6[%dma_start3A_479, %dma_start3A_490, %dma_start3A_491] : memref<2x56x1024xf32, #tpu.memory_space<vmem>> -> memref<1x56x1024xf32, #tpu.memory_space<vmem>>
    %dma_start3A_493 = tpu.memref_squeeze %dma_start3A_492 : memref<1x56x1024xf32, #tpu.memory_space<vmem>> -> memref<56x1024xf32, #tpu.memory_space<vmem>>
    tpu.enqueue_dma source(%dma_start3A_493 : memref<56x1024xf32, #tpu.memory_space<vmem>>) target(%dma_start3A_489 : memref<56x1024xf32, #tpu.memory_space<hbm>>) target_semaphore(%arg9 : memref<!tpu.dma_semaphore, #tpu.memory_space<semaphore_mem>>)
    %dma_wait3A_494 = arith.constant 1 : i32
    %dma_wait3A_495 = arith.constant 0 : i32
    %dma_wait3A_496 = arith.constant 0 : i32
    %dma_wait3A_497 = tpu.memref_slice %arg6[%dma_wait3A_494, %dma_wait3A_495, %dma_wait3A_496] : memref<2x56x1024xf32, #tpu.memory_space<vmem>> -> memref<1x8x1024xf32, #tpu.memory_space<vmem>>
    %dma_wait3A_498 = tpu.memref_squeeze %dma_wait3A_497 : memref<1x8x1024xf32, #tpu.memory_space<vmem>> -> memref<8x1024xf32, #tpu.memory_space<vmem>>
    %dma_wait3A_499 = arith.constant 504 : i32
    %dma_wait3A_500 = tpu.memref_slice %arg5[%dma_wait3A_499] : memref<512xi32, #tpu.memory_space<vmem>> -> memref<8xi32, #tpu.memory_space<vmem>>
    %dma_wait3A_501 = arith.constant 0 : i32
    %dma_wait3A_502 = arith.constant 0 : i32
    %dma_wait3A_503 = tpu.memref_slice %arg3[%dma_wait3A_501, %dma_wait3A_502] : memref<50257x1024xf32, #tpu.memory_space<hbm>> -> memref<50257x1024xf32, #tpu.memory_space<hbm>>
    tpu.wait_indirect_dma semaphore(%arg8 : memref<!tpu.dma_semaphore, #tpu.memory_space<semaphore_mem>>) src(%dma_wait3A_503 : memref<50257x1024xf32, #tpu.memory_space<hbm>>) dst(%dma_wait3A_498 : memref<8x1024xf32, #tpu.memory_space<vmem>>)
    %add3A_504 = arith.constant 504 : i32
    %add3A_505 = arith.addi %mul3A_32, %add3A_504 : i32
    %dma_start3A_506 = arith.constant 1 : i32
    %dma_start3A_507 = arith.constant 0 : i32
    %dma_start3A_508 = arith.constant 0 : i32
    %dma_start3A_509 = tpu.memref_slice %arg6[%dma_start3A_506, %dma_start3A_507, %dma_start3A_508] : memref<2x56x1024xf32, #tpu.memory_space<vmem>> -> memref<1x8x1024xf32, #tpu.memory_space<vmem>>
    %dma_start3A_510 = tpu.memref_squeeze %dma_start3A_509 : memref<1x8x1024xf32, #tpu.memory_space<vmem>> -> memref<8x1024xf32, #tpu.memory_space<vmem>>
    %dma_start3A_511 = arith.constant 0 : i32
    %dma_start3A_512 = tpu.memref_slice %arg4[%select_n3A, %add3A_505, %dma_start3A_511] : memref<4x4096x1024xf32, #tpu.memory_space<hbm>> -> memref<1x8x1024xf32, #tpu.memory_space<hbm>>
    %dma_start3A_513 = tpu.memref_squeeze %dma_start3A_512 : memref<1x8x1024xf32, #tpu.memory_space<hbm>> -> memref<8x1024xf32, #tpu.memory_space<hbm>>
    %dma_start3A_514 = arith.constant 0 : i32
    %dma_start3A_515 = tpu.memref_slice %arg4[%select_n3A, %add3A_505, %dma_start3A_514] : memref<4x4096x1024xf32, #tpu.memory_space<hbm>> -> memref<1x8x1024xf32, #tpu.memory_space<hbm>>
    %dma_start3A_516 = tpu.memref_squeeze %dma_start3A_515 : memref<1x8x1024xf32, #tpu.memory_space<hbm>> -> memref<8x1024xf32, #tpu.memory_space<hbm>>
    %dma_start3A_517 = arith.constant 0 : i32
    %dma_start3A_518 = arith.constant 0 : i32
    %dma_start3A_519 = tpu.memref_slice %arg6[%dma_start3A_506, %dma_start3A_517, %dma_start3A_518] : memref<2x56x1024xf32, #tpu.memory_space<vmem>> -> memref<1x8x1024xf32, #tpu.memory_space<vmem>>
    %dma_start3A_520 = tpu.memref_squeeze %dma_start3A_519 : memref<1x8x1024xf32, #tpu.memory_space<vmem>> -> memref<8x1024xf32, #tpu.memory_space<vmem>>
    tpu.enqueue_dma source(%dma_start3A_520 : memref<8x1024xf32, #tpu.memory_space<vmem>>) target(%dma_start3A_516 : memref<8x1024xf32, #tpu.memory_space<hbm>>) target_semaphore(%arg10 : memref<!tpu.dma_semaphore, #tpu.memory_space<semaphore_mem>>)
    %dma_wait3A_521 = arith.constant 0 : i32
    %dma_wait3A_522 = arith.constant 0 : i32
    %dma_wait3A_523 = arith.constant 0 : i32
    %dma_wait3A_524 = tpu.memref_slice %arg6[%dma_wait3A_521, %dma_wait3A_522, %dma_wait3A_523] : memref<2x56x1024xf32, #tpu.memory_space<vmem>> -> memref<1x56x1024xf32, #tpu.memory_space<vmem>>
    %dma_wait3A_525 = tpu.memref_squeeze %dma_wait3A_524 : memref<1x56x1024xf32, #tpu.memory_space<vmem>> -> memref<56x1024xf32, #tpu.memory_space<vmem>>
    %dma_wait3A_526 = arith.constant 0 : i32
    %dma_wait3A_527 = tpu.memref_slice %arg4[%select_n3A, %add3A_478, %dma_wait3A_526] : memref<4x4096x1024xf32, #tpu.memory_space<hbm>> -> memref<1x56x1024xf32, #tpu.memory_space<hbm>>
    %dma_wait3A_528 = tpu.memref_squeeze %dma_wait3A_527 : memref<1x56x1024xf32, #tpu.memory_space<hbm>> -> memref<56x1024xf32, #tpu.memory_space<hbm>>
    %dma_wait3A_529 = arith.constant 0 : i32
    %dma_wait3A_530 = tpu.memref_slice %arg4[%select_n3A, %add3A_478, %dma_wait3A_529] : memref<4x4096x1024xf32, #tpu.memory_space<hbm>> -> memref<1x56x1024xf32, #tpu.memory_space<hbm>>
    %dma_wait3A_531 = tpu.memref_squeeze %dma_wait3A_530 : memref<1x56x1024xf32, #tpu.memory_space<hbm>> -> memref<56x1024xf32, #tpu.memory_space<hbm>>
    %dma_wait3A_532 = arith.constant 0 : i32
    %dma_wait3A_533 = arith.constant 0 : i32
    %dma_wait3A_534 = tpu.memref_slice %arg6[%dma_wait3A_521, %dma_wait3A_532, %dma_wait3A_533] : memref<2x56x1024xf32, #tpu.memory_space<vmem>> -> memref<1x56x1024xf32, #tpu.memory_space<vmem>>
    %dma_wait3A_535 = tpu.memref_squeeze %dma_wait3A_534 : memref<1x56x1024xf32, #tpu.memory_space<vmem>> -> memref<56x1024xf32, #tpu.memory_space<vmem>>
    tpu.wait_dma2 semaphore(%arg9 : memref<!tpu.dma_semaphore, #tpu.memory_space<semaphore_mem>>) src(%dma_wait3A_535 : memref<56x1024xf32, #tpu.memory_space<vmem>>) dst(%dma_wait3A_531 : memref<56x1024xf32, #tpu.memory_space<hbm>>)
    %dma_wait3A_536 = arith.constant 1 : i32
    %dma_wait3A_537 = arith.constant 0 : i32
    %dma_wait3A_538 = arith.constant 0 : i32
    %dma_wait3A_539 = tpu.memref_slice %arg6[%dma_wait3A_536, %dma_wait3A_537, %dma_wait3A_538] : memref<2x56x1024xf32, #tpu.memory_space<vmem>> -> memref<1x8x1024xf32, #tpu.memory_space<vmem>>
    %dma_wait3A_540 = tpu.memref_squeeze %dma_wait3A_539 : memref<1x8x1024xf32, #tpu.memory_space<vmem>> -> memref<8x1024xf32, #tpu.memory_space<vmem>>
    %dma_wait3A_541 = arith.constant 0 : i32
    %dma_wait3A_542 = tpu.memref_slice %arg4[%select_n3A, %add3A_505, %dma_wait3A_541] : memref<4x4096x1024xf32, #tpu.memory_space<hbm>> -> memref<1x8x1024xf32, #tpu.memory_space<hbm>>
    %dma_wait3A_543 = tpu.memref_squeeze %dma_wait3A_542 : memref<1x8x1024xf32, #tpu.memory_space<hbm>> -> memref<8x1024xf32, #tpu.memory_space<hbm>>
    %dma_wait3A_544 = arith.constant 0 : i32
    %dma_wait3A_545 = tpu.memref_slice %arg4[%select_n3A, %add3A_505, %dma_wait3A_544] : memref<4x4096x1024xf32, #tpu.memory_space<hbm>> -> memref<1x8x1024xf32, #tpu.memory_space<hbm>>
    %dma_wait3A_546 = tpu.memref_squeeze %dma_wait3A_545 : memref<1x8x1024xf32, #tpu.memory_space<hbm>> -> memref<8x1024xf32, #tpu.memory_space<hbm>>
    %dma_wait3A_547 = arith.constant 0 : i32
    %dma_wait3A_548 = arith.constant 0 : i32
    %dma_wait3A_549 = tpu.memref_slice %arg6[%dma_wait3A_536, %dma_wait3A_547, %dma_wait3A_548] : memref<2x56x1024xf32, #tpu.memory_space<vmem>> -> memref<1x8x1024xf32, #tpu.memory_space<vmem>>
    %dma_wait3A_550 = tpu.memref_squeeze %dma_wait3A_549 : memref<1x8x1024xf32, #tpu.memory_space<vmem>> -> memref<8x1024xf32, #tpu.memory_space<vmem>>
    tpu.wait_dma2 semaphore(%arg10 : memref<!tpu.dma_semaphore, #tpu.memory_space<semaphore_mem>>) src(%dma_wait3A_550 : memref<8x1024xf32, #tpu.memory_space<vmem>>) dst(%dma_wait3A_546 : memref<8x1024xf32, #tpu.memory_space<hbm>>)
    return
  }
}

</mosaic_0001>

<sc_bundles>
// kernel: kernel.3.cloned.1.call-start
scs
__scs_entry_jumppad:
0x0: {  	(pc) =	sbr.rel $0x88, $3  }
0x1: {  	(tag) =	ssettag $0x0;
	lr =	simm.s32 $0x1  }
0x2: {  	[smem:$0x3F9F] =	sst lr;
	_ =	strace $0xD0000000  }
0x3: {  	_ = 	snop  }
0x4: {  	_ = 	snop  }
0x5: {  	_ = 	snop  }
0x6: {  	_ = 	snop  }
0x7: {  	_ = 	snop  }
__scs_overlays_trampoline_lowered:
0x8: {  	[smem:$0x3FAE] =	sst s0  }
0x9: {  	[smem:$0x3FAF] =	sst s1  }
0xa: {  	[smem:$0x3FB0] =	sst s2  }
0xb: {  	[smem:$0x3FB1] =	sst s3  }
0xc: {  	[smem:$0x3FB2] =	sst s4  }
0xd: {  	[smem:$0x3FB3] =	sst s5  }
0xe: {  	[smem:$0x3FB4] =	sst s6  }
0xf: {  	[smem:$0x3FB5] =	sst s7  }
0x10: {  	[smem:$0x3FB6] =	sst s8  }
0x11: {  	[smem:$0x3FB7] =	sst s9;
	s0 =	simm.s32 @!p0 $0x0  }
0x12: {  	s1 =	sld [smem:$0x3F9D];
	s0 =	simm.s32 @p0 $0x1  }
0x13: {  	[smem:$0x3FB8] =	sst s0;
	s0 =	simm.s32 @!p1 $0x0  }
0x14: {  	s2 =	sld [smem:$0x3F9C];
	s0 =	simm.s32 @p1 $0x1  }
0x15: {  	[smem:$0x3FB9] =	sst s0;
	s0 =	simm.s32 @!p2 $0x0  }
0x16: {  	s3 =	sld [smem:$0x3FDB];
	s0 =	simm.s32 @p2 $0x1  }
0x17: {  	s4 =	simm.s32 $0x1BF5;
	[smem:$0x3FBB] =	sst s0  }
0x18: {  	s0 =	sld [smem:$0x3F9E];
	_ =	swait.ge [sflag:s4], $0x0  }
0x19: {  	s7 =	sld [smem:$0x3F9F]  }
0x1a: {  	s8 =	sadd.s32 $0xFFFFE003, lr  }
0x1b: {  	s9 =	sadd.s32 $0xFFFFFEF7, lr;
	s5 =	simm.s32 $0xFFFFFFFF;
	p2 =	slt.u32 s8, $0xFFFFF086  }
0x1c: {  	p1 =	slt.u32 s9, $0xF7A;
	s5 =	simm.s32 @!p2 $0x0  }
0x1d: {  	s5 =	simm.s32 @p1 $0x1;
	p0 =	seq.s32 s7, s2  }
0x1e: {  	s7 =	smul.u32 @!p0 $0xF7A, s2;
	p2 =	seq.s32 @!p0 s5, $0x0  }
0x1f: {  	s9 =	smul.u32 $0xF7A, s1;
	s8 =	simm.s32 @!p0 $0x1BF5;
	p2 =	por !p2, p0  }
0x20: {  	[sflag:s8] =	ssyncset.s32 @!p0 $0xFFFFF086;
	s6 =	sadd.s32 @!p0 s3, s7;
	s7 =	simm.s32 @!p0 $0x108  }
0x21: {  	s3 =	sadd.s32 s3, s9;
	s6 =	sadd.s32 @!p0 $0x88, s6;
	s7 =	simm.s32 @p2 $0x1082  }
0x22: {  	[simem:s7], [sflag:s8] =	dma.local @!p0 [hbm:s6], $0xF7A  }
0x23: {  	s9 =	sor.u32 $0xD0000000, s2;
	s6 =	simm.s32 $0x108;
	_ =	swait.ge @!p0 [sflag:s8], $0x0  }
0x24: {  	s3 =	sadd.s32 $0x88, s3;
	s6 =	simm.s32 @!p1 $0x1082;
	[sflag:s4] =	ssyncset.s32 $0xFFFFF086  }
0x25: {  	[simem:s6], [sflag:s4] =	dma.local [hbm:s3], $0xF7A  }
0x26: {  	[smem:$0x3F9F] =	sst s1;
	(tag) =	ssettag s2;
	_ =	strace s9  }
0x27: {  	s1 =	sld [smem:$0x3FAF]  }
0x28: {  	s2 =	sld [smem:$0x3FB0]  }
0x29: {  	s4 =	sld [smem:$0x3FB2]  }
0x2a: {  	p0 =	seq.s32 s5, $0x0;
	s5 =	sld [smem:$0x3FB3]  }
0x2b: {  	s6 =	sld [smem:$0x3FB4]  }
0x2c: {  	s7 =	sld [smem:$0x3FB5]  }
0x2d: {  	s3 =	simm.s32 $0x108;
	s8 =	sld [smem:$0x3FB6]  }
0x2e: {  	s3 =	simm.s32 @!p0 $0x1082;
	s9 =	sld [smem:$0x3FB7]  }
0x2f: {  	lr =	sadd.s32 s0, s3;
	s0 =	sld [smem:$0x3FAE]  }
0x30: {  	s3 =	sld [smem:$0x3FB1]  }
0x31: {  	[smem:$0x3FBA] =	sst s10  }
0x32: {  	s10 =	sld [smem:$0x3FB8];
	_ =	sdelay $0x3  }
0x33: {  	p0 =	seq.s32 s10, $0x1;
	s10 =	sld [smem:$0x3FBA];
	_ =	sdelay $0x3  }
0x34: {  	[smem:$0x3FBA] =	sst s10  }
0x35: {  	s10 =	sld [smem:$0x3FB9];
	_ =	sdelay $0x3  }
0x36: {  	p1 =	seq.s32 s10, $0x1;
	s10 =	sld [smem:$0x3FBA];
	_ =	sdelay $0x3  }
0x37: {  	[smem:$0x3FBA] =	sst s10  }
0x38: {  	s10 =	sld [smem:$0x3FBB]  }
0x39: {  	_ = 	snop;
	(pc) =	sbr.ind lr, $3  }
0x3a: {  	_ = 	snop  }
0x3b: {  	_ = 	snop  }
0x3c: {  	p2 =	seq.s32 s10, $0x1;
	s10 =	sld [smem:$0x3FBA]  }
0x3d: {  	_ =	shalt  }
0x3e: {  	_ =	shalt  }
0x3f: {  	_ =	shalt  }
0x40: {  	_ =	shalt  }
0x41: {  	_ =	shalt  }
0x42: {  	_ =	shalt  }
0x43: {  	_ =	shalt  }
0x44: {  	_ =	shalt  }
0x45: {  	_ =	shalt  }
0x46: {  	_ =	shalt  }
0x47: {  	_ =	shalt  }
0x48: {  	_ =	shalt  }
0x49: {  	_ =	shalt  }
0x4a: {  	_ =	shalt  }
0x4b: {  	_ =	shalt  }
0x4c: {  	_ =	shalt  }
0x4d: {  	_ =	shalt  }
0x4e: {  	_ =	shalt  }
0x4f: {  	_ =	shalt  }
0x50: {  	_ =	shalt  }
0x51: {  	_ =	shalt  }
0x52: {  	_ =	shalt  }
0x53: {  	_ =	shalt  }
0x54: {  	_ =	shalt  }
0x55: {  	_ =	shalt  }
0x56: {  	_ =	shalt  }
0x57: {  	_ =	shalt  }
0x58: {  	_ =	shalt  }
0x59: {  	_ =	shalt  }
0x5a: {  	_ =	shalt  }
0x5b: {  	_ =	shalt  }
0x5c: {  	_ =	shalt  }
0x5d: {  	_ =	shalt  }
0x5e: {  	_ =	shalt  }
0x5f: {  	_ =	shalt  }
0x60: {  	_ =	shalt  }
0x61: {  	_ =	shalt  }
0x62: {  	_ =	shalt  }
0x63: {  	_ =	shalt  }
0x64: {  	_ =	shalt  }
0x65: {  	_ =	shalt  }
0x66: {  	_ =	shalt  }
0x67: {  	_ =	shalt  }
0x68: {  	_ =	shalt  }
0x69: {  	_ =	shalt  }
0x6a: {  	_ =	shalt  }
0x6b: {  	_ =	shalt  }
0x6c: {  	_ =	shalt  }
0x6d: {  	_ =	shalt  }
0x6e: {  	_ =	shalt  }
0x6f: {  	_ =	shalt  }
0x70: {  	_ =	shalt  }
0x71: {  	_ =	shalt  }
0x72: {  	_ =	shalt  }
0x73: {  	_ =	shalt  }
0x74: {  	_ =	shalt  }
0x75: {  	_ =	shalt  }
0x76: {  	_ =	shalt  }
0x77: {  	_ =	shalt  }
0x78: {  	_ =	shalt  }
0x79: {  	_ =	shalt  }
0x7a: {  	_ =	shalt  }
0x7b: {  	_ =	shalt  }
0x7c: {  	_ =	shalt  }
0x7d: {  	_ =	shalt  }
0x7e: {  	_ =	shalt  }
0x7f: {  	_ =	shalt  }
0x80: {  	_ =	shalt  }
0x81: {  	_ =	shalt  }
0x82: {  	_ =	shalt  }
0x83: {  	_ =	shalt  }
0x84: {  	_ =	shalt  }
0x85: {  	_ =	shalt  }
0x86: {  	_ =	shalt  }
0x87: {  	_ =	shalt  }
.Lfunc_end0:
.L_simem_size_0:
called_computation_lowered:
.L_overlay_start_0:
0x88: {  	s2 =	sld [smem:$0x3FD9]  }
0x89: {  	s3 =	sld [smem:$0x3FFE];
	_ =	sdelay $0x1  }
0x8a: {  	s1 =	srdreg.scid  }
0x8b: {  	s0 =	sand.u32 $0x1, s1  }
0x8c: {  	s18 =	sshll.u32 s0, $0xA;
	s2 =	sadd.s32 s3, s2  }
0x8d: {  	s2 =	sadd.s32 s2, s18  }
0x8e: {  	[smem:$0x3FC6] =	sst s2  }
0x8f: {  	_ = 	snop  }
0x90: {  	s2 =	sld [smem:$0x3FC9]  }
0x91: {  	s19 =	sld [smem:$0x3FC8]  }
0x92: {  	s4 =	sld [smem:$0x3FD0];
	(tm) =	ssettm $0x1  }
0x93: {  	s5 =	sld [smem:$0x3FFB];
	_ =	sdelay $0x3  }
0x94: {  	_ =	strace s5  }
0x95: {  	s5 =	sld [smem:$0x3FFC];
	_ =	sdelay $0x3  }
0x96: {  	_ =	strace s5  }
0x97: {  	s5 =	sld [smem:$0x3FFD];
	_ =	sdelay $0x3  }
0x98: {  	_ =	strace s5  }
0x99: {  	_ =	strace $0x8FFFFFFF  }
0x9a: {  	s20 =	sld [smem:$0x3FDB];
	_ =	sdelay $0x1  }
0x9b: {  	s6 =	simm.s32 $_scs_section_size  }
0x9c: {  	s7 =	simm.s32 $_size__tile_overlayer_lowered;
	s8 =	simm.s32 $_tile_overlayer_lowered  }
0x9d: {  	s23 =	simm.s32 $0x1BFF;
	s22 =	sshll.u32 s8, $0x1;
	s5 =	sadd.s32 s6, s20  }
0x9e: {  	s9 =	simm.s32 $0x0;
	s21 =	sshll.u32 s7, $0x1;
	s7 =	sadd.s32 s22, s5  }
0x9f: {  	[timem:s9], [sflag:s23] =	dma.local [hbm:s7], s21  }
0xa0: {  	_ =	swait.ge [sflag:s23], s21  }
0xa1: {  	s6 =	ssub.s32 $0x0, s21;
	[sflag:s23] =	ssyncset.done $0x0  }
0xa2: {  	[sflag:s23] =	ssyncadd.s32 s6;
	_ =	sdelay $0x1  }
0xa3: {  	s24 =	simm.s32 $0x1B8B  }
0xa4: {  	_ =	swait.ge [sflag:s24], $0x1  }
0xa5: {  	[sflag:s24] =	ssyncset.done $0x0  }
0xa6: {  	s25 =	simm.s32 $0x1B8E;
	[sflag:s24] =	ssyncadd.s32 $0xFFFFFFFF  }
0xa7: {  	s26 =	simm.s32 $execute0_lowered;
	[smem:$0x3FD2] =	sst s25  }
0xa8: {  	s6 =	sshll.u32 s26, $0x1;
	_ =	strace $0x80000046;
	[dreg:$0x1] =	wrdreg $0xFFFFFFFF  }
0xa9: {  	s28 =	simm.s32 $_size_execute0_lowered;
	s5 =	sadd.s32 s5, s6;
	[dreg:$0x0] =	wrdreg $0x0  }
0xaa: {  	s6 =	sshll.u32 s28, $0x1;
	[dreg:$0x2] =	wrdreg s5  }
0xab: {  	[dreg:$0x3] =	wrdreg s6  }
0xac: {  	[dreg:$0x4] =	wrdreg $0xC0  }
0xad: {  	_ =	task [dreg:s9], $0x5FFFF  }
0xae: {  	[dreg:$0x1] =	wrdreg $0xFFFFFFFF  }
0xaf: {  	[dreg:$0x0] =	wrdreg $0x60  }
0xb0: {  	[dreg:$0x2] =	wrdreg s2  }
0xb1: {  	[dreg:$0x3] =	wrdreg s19  }
0xb2: {  	[dreg:$0x4] =	wrdreg s4  }
0xb3: {  	[dreg:$0x5] =	wrdreg $0x9  }
0xb4: {  	_ =	task.clear_ibuf [dreg:s9], $0x6FFFF;
	_ =	strace $0x90000046  }
0xb5: {  	s29 =	simm.s32 $0x9;
	_ =	strace $0x80000048  }
0xb6: {  	_ =	swait.ge [sflag:s29], $0x1  }
0xb7: {  	[sflag:s29] =	ssyncadd.s32 $0xFFFFFFFF  }
0xb8: {  	_ =	strace $0x90000048  }
0xb9: {  	_ =	sfence  }
0xba: {  	s30 =	sld [smem:$0x0];
	_ =	sdelay $0x2  }
0xbb: {  	s31 =	sshll.u32 s1, $0xD;
	s1 =	sshrl.u32 s1, $0x2  }
0xbc: {  	s3 =	sand.u32 $0x4000, s31;
	s1 =	sadd.s32 s1, s30  }
0xbd: {  	s0 =	sor.u32 s3, s0;
	s1 =	sshll.u32 s1, $0x11  }
0xbe: {  	s0 =	sor.u32 s1, s0  }
0xbf: {  	s0 =	sadd.s32 $0x8F2B, s0  }
0xc0: {  	[sflag:s0] =	ssyncadd.remote.s32 $0x1  }
0xc1: {  	_ =	sfence.sel $0xFFFF  }
0xc2: {  	[dreg:$0x0] =	wrdreg $0xFFFFFFFF;
	(pc) =	sbr.abs _section_cstart, $3  }
0xc3: {  	[dreg:$0x1] =	wrdreg $0xFFFFFFFF  }
0xc4: {  	_ =	task.clear_ibuf [dreg:s9], $0x2FFFF;
	_ =	strace $0x9FFFFFFF  }
0xc5: {  	(tm) =	ssettm $0x7FFFFFFF  }
tec
execute0_lowered:
.L_overlay_start_1:
0x0: {  	(tag) =	ssettag $0x1  }
0x1: {  	s0 =	rddreg [dreg:$0x0]  }
0x2: {  	s2 =	rddreg [dreg:$0x1]  }
0x3: {  	s1 =	rddreg [dreg:$0x2];
	s6 =	stileid.u32  }
0x4: {  	s4 =	srdreg.scid;
	s3 =	simm.s32 $0x0;
	s31 =	simm.s32 $0x80  }
0x5: {  	s5 =	sshll.u32 s6, $0x1;
	s4 =	sand.u32 $0x1, s4;
	s6 =	sshrl.u32 s6, $0x2  }
0x6: {  	[smem:$0x7FF] =	sst s3;
	s5 =	sand.u32 $0x6, s5;
	s8 =	sshll.u32 s6, $0x4  }
0x7: {  	s6 =	sshll.u32 s6, $0x13;
	_ =	strace $0x80000047;
	s5 =	sor.u32 s4, s5  }
0x8: {  	s0 =	sadd.s32 s0, s8;
	s7 =	sshll.u32 s5, $0x10;
	s5 =	sshll.u32 s5, $0x8  }
0x9: {  	[dreg:$0xe] =	wrdreg s31;
	s6 =	sor.u32 s6, s7;
	s0 =	sadd.s32 s5, s0  }
0xa: {  	s18 =	simm.s32 $0x1;
	s7 =	sadd.s32 s1, s6;
	[dreg:$0x4] =	wrdreg s0  }
0xb: {  	s19 =	simm.s32 $0x3;
	s20 =	sadd.s32 $0x1C00, s7;
	[dreg:$0xf] =	wrdreg s7  }
0xc: {  	s9 =	simm.s32 $0xE200;
	s21 =	sadd.s32 $0x3800, s7;
	[dreg:$0x5] =	wrdreg s20  }
0xd: {  	s24 =	ssub.s32 $0x2, s4;
	s22 =	sadd.s32 $0x5400, s7;
	[dreg:$0x6] =	wrdreg s21  }
0xe: {  	s4 =	sshrl.u32 s24, $0x1;
	s23 =	sadd.s32 $0x7000, s7;
	[dreg:$0x7] =	wrdreg s22  }
0xf: {  	s5 =	sadd.s32 $0x100, s2;
	s25 =	sadd.s32 $0x8C00, s7;
	[dreg:$0x8] =	wrdreg s23  }
0x10: {  	s1 =	ssub.s32 s24, s4;
	s26 =	sadd.s32 $0xA800, s7;
	[dreg:$0x9] =	wrdreg s25  }
0x11: {  	s6 =	sadd.s32 $0x200, s2;
	s28 =	sadd.s32 $0xC400, s7;
	[dreg:$0xa] =	wrdreg s26  }
0x12: {  	v2 =	vlaneseq.u32;
	s29 =	sadd.s32 $0xE000, s7;
	s30 =	sadd.s32 $0xFC00, s7;
	[dreg:$0xb] =	wrdreg s28  }
0x13: {  	vm0 =	vmmov $0xffff;
	v1 =	vshrl.u32 v2, $0x3;
	s7 =	sadd.s32 $0x300, s2;
	s8 =	smax.u32 s1, $0x1;
	[dreg:$0xc] =	wrdreg s29  }
0x14: {  	v0 =	vand.u32 $0x7, v2;
	v2 =	vor.u32 $0x8, v2;
	v1 =	vmul.u32 $0x8, v1;
	[dreg:$0xd] =	wrdreg s30;
	s20 =	simm.s32 $0x2;
	s21 =	simm.s32 $0x4  }
.LBB2_1:
0x15: {  	s22 =	rddreg [dreg:$0x4]  }
0x16: {  	s23 =	rddreg [dreg:$0xe];
	s0 =	simm.s32 $0x200  }
0x17: {  	[tilespmem:s3], [sflag:$0x5] =	stream.strided.gather [hbm4b:s22+s23], $0x200, s0, s23, $0x38;
	[tilespmem:$0x1C200] =	vst v63  }
0x18: {  	s23 =	simm.s32 $0x5  }
0x19: {  	_ =	swait.ge [sflag:s23], $0x200  }
0x1a: {  	[sflag:s23] =	ssyncset.done $0x0  }
0x1b: {  	[sflag:s23] =	ssyncadd.s32 $0xFFFFFE00  }
0x1c: {  	v3 =	vld [tilespmem:$0x0];
	_ =	sdelay $0x4  }
0x1d: {  	v4 =	vshll.u32 v3, $0x3  }
0x1e: {  	v3 =	vand.u32 $0x7, v3;
	v4 =	vand.u32 $0xFFFFFFC0, v4  }
0x1f: {  	v3 =	vor.u32 v3, v4  }
0x20: {  	v4 =	vperm.xlane v3, v0;
	_ =	sdelay $0x1  }
0x21: {  	v4 =	vadd.s32 v1, v4;
	_ =	sdelay $0x3  }
0x22: {  	s17 =	simm.s32 $0x200  }
0x23: {  	[tilespmem:s17], [sflag:$0x1] =	stream.indirect_vreg.gather [hbm4b:s2+s3], $0x80, v4, vm0, $0xb8;
	[tilespmem:$0x1C200] =	vst v63  }
0x24: {  	s24 =	simm.s32 $0xA00;
	v3 =	vperm.xlane v3, v2  }
0x25: {  	[tilespmem:s24], [sflag:$0x1] =	stream.indirect_vreg.gather [hbm4b:s5+s3], $0x80, v4, vm0, $0xb8;
	[tilespmem:$0x1C200] =	vst v63  }
0x26: {  	s25 =	simm.s32 $0x1200;
	v3 =	vadd.s32 v1, v3  }
0x27: {  	[tilespmem:s25], [sflag:$0x1] =	stream.indirect_vreg.gather [hbm4b:s6+s3], $0x80, v4, vm0, $0xb8;
	[tilespmem:$0x1C200] =	vst v63  }
0x28: {  	s26 =	simm.s32 $0x1A00  }
0x29: {  	[tilespmem:s26], [sflag:$0x1] =	stream.indirect_vreg.gather [hbm4b:s7+s3], $0x80, v4, vm0, $0xb8;
	[tilespmem:$0x1C200] =	vst v63  }
0x2a: {  	s28 =	simm.s32 $0x2200  }
0x2b: {  	[tilespmem:s28], [sflag:$0x1] =	stream.indirect_vreg.gather [hbm4b:s2+s3], $0x80, v3, vm0, $0xb8;
	[tilespmem:$0x1C200] =	vst v63  }
0x2c: {  	s29 =	simm.s32 $0x2A00  }
0x2d: {  	[tilespmem:s29], [sflag:$0x1] =	stream.indirect_vreg.gather [hbm4b:s5+s3], $0x80, v3, vm0, $0xb8;
	[tilespmem:$0x1C200] =	vst v63  }
0x2e: {  	s30 =	simm.s32 $0x3200  }
0x2f: {  	[tilespmem:s30], [sflag:$0x1] =	stream.indirect_vreg.gather [hbm4b:s6+s3], $0x80, v3, vm0, $0xb8;
	[tilespmem:$0x1C200] =	vst v63  }
0x30: {  	s31 =	simm.s32 $0x3A00  }
0x31: {  	[tilespmem:s31], [sflag:$0x1] =	stream.indirect_vreg.gather [hbm4b:s7+s3], $0x80, v3, vm0, $0xb8;
	[tilespmem:$0x1C200] =	vst v63  }
0x32: {  	v3 =	vld [tilespmem:$0x10];
	_ =	sdelay $0x4  }
0x33: {  	v28 =	vshll.u32 v3, $0x3  }
0x34: {  	v3 =	vand.u32 $0x7, v3;
	v4 =	vand.u32 $0xFFFFFFC0, v28  }
0x35: {  	v3 =	vor.u32 v3, v4  }
0x36: {  	v4 =	vperm.xlane v3, v0;
	_ =	sdelay $0x1  }
0x37: {  	v4 =	vadd.s32 v1, v4;
	_ =	sdelay $0x3  }
0x38: {  	s10 =	simm.s32 $0x4200  }
0x39: {  	[tilespmem:s10], [sflag:$0x1] =	stream.indirect_vreg.gather [hbm4b:s2+s3], $0x80, v4, vm0, $0xb8;
	[tilespmem:$0x1C200] =	vst v63  }
0x3a: {  	s12 =	simm.s32 $0x4A00;
	v3 =	vperm.xlane v3, v2  }
0x3b: {  	[tilespmem:s12], [sflag:$0x1] =	stream.indirect_vreg.gather [hbm4b:s5+s3], $0x80, v4, vm0, $0xb8;
	[tilespmem:$0x1C200] =	vst v63  }
0x3c: {  	s14 =	simm.s32 $0x5200;
	v3 =	vadd.s32 v1, v3  }
0x3d: {  	[tilespmem:s14], [sflag:$0x1] =	stream.indirect_vreg.gather [hbm4b:s6+s3], $0x80, v4, vm0, $0xb8;
	[tilespmem:$0x1C200] =	vst v63  }
0x3e: {  	s16 =	simm.s32 $0x5A00  }
0x3f: {  	[tilespmem:s16], [sflag:$0x1] =	stream.indirect_vreg.gather [hbm4b:s7+s3], $0x80, v4, vm0, $0xb8;
	[tilespmem:$0x1C200] =	vst v63  }
0x40: {  	s17 =	simm.s32 $0x6200  }
0x41: {  	[tilespmem:s17], [sflag:$0x1] =	stream.indirect_vreg.gather [hbm4b:s2+s3], $0x80, v3, vm0, $0xb8;
	[tilespmem:$0x1C200] =	vst v63  }
0x42: {  	s22 =	simm.s32 $0x6A00  }
0x43: {  	[tilespmem:s22], [sflag:$0x1] =	stream.indirect_vreg.gather [hbm4b:s5+s3], $0x80, v3, vm0, $0xb8;
	[tilespmem:$0x1C200] =	vst v63  }
0x44: {  	s23 =	simm.s32 $0x7200  }
0x45: {  	[tilespmem:s23], [sflag:$0x1] =	stream.indirect_vreg.gather [hbm4b:s6+s3], $0x80, v3, vm0, $0xb8;
	[tilespmem:$0x1C200] =	vst v63  }
0x46: {  	s24 =	simm.s32 $0x7A00  }
0x47: {  	[tilespmem:s24], [sflag:$0x1] =	stream.indirect_vreg.gather [hbm4b:s7+s3], $0x80, v3, vm0, $0xb8;
	[tilespmem:$0x1C200] =	vst v63  }
0x48: {  	v3 =	vld [tilespmem:$0x20];
	_ =	sdelay $0x4  }
0x49: {  	v29 =	vshll.u32 v3, $0x3  }
0x4a: {  	v3 =	vand.u32 $0x7, v3;
	v4 =	vand.u32 $0xFFFFFFC0, v29  }
0x4b: {  	v3 =	vor.u32 v3, v4  }
0x4c: {  	v4 =	vperm.xlane v3, v0;
	_ =	sdelay $0x1  }
0x4d: {  	v4 =	vadd.s32 v1, v4;
	_ =	sdelay $0x3  }
0x4e: {  	s25 =	simm.s32 $0x8200  }
0x4f: {  	[tilespmem:s25], [sflag:$0x1] =	stream.indirect_vreg.gather [hbm4b:s2+s3], $0x80, v4, vm0, $0xb8;
	[tilespmem:$0x1C200] =	vst v63  }
0x50: {  	s26 =	simm.s32 $0x8A00;
	v3 =	vperm.xlane v3, v2  }
0x51: {  	[tilespmem:s26], [sflag:$0x1] =	stream.indirect_vreg.gather [hbm4b:s5+s3], $0x80, v4, vm0, $0xb8;
	[tilespmem:$0x1C200] =	vst v63  }
0x52: {  	s28 =	simm.s32 $0x9200;
	v3 =	vadd.s32 v1, v3  }
0x53: {  	[tilespmem:s28], [sflag:$0x1] =	stream.indirect_vreg.gather [hbm4b:s6+s3], $0x80, v4, vm0, $0xb8;
	[tilespmem:$0x1C200] =	vst v63  }
0x54: {  	s29 =	simm.s32 $0x9A00  }
0x55: {  	[tilespmem:s29], [sflag:$0x1] =	stream.indirect_vreg.gather [hbm4b:s7+s3], $0x80, v4, vm0, $0xb8;
	[tilespmem:$0x1C200] =	vst v63  }
0x56: {  	s30 =	simm.s32 $0xA200  }
0x57: {  	[tilespmem:s30], [sflag:$0x1] =	stream.indirect_vreg.gather [hbm4b:s2+s3], $0x80, v3, vm0, $0xb8;
	[tilespmem:$0x1C200] =	vst v63  }
0x58: {  	s31 =	simm.s32 $0xAA00  }
0x59: {  	[tilespmem:s31], [sflag:$0x1] =	stream.indirect_vreg.gather [hbm4b:s5+s3], $0x80, v3, vm0, $0xb8;
	[tilespmem:$0x1C200] =	vst v63  }
0x5a: {  	s10 =	simm.s32 $0xB200  }
0x5b: {  	[tilespmem:s10], [sflag:$0x1] =	stream.indirect_vreg.gather [hbm4b:s6+s3], $0x80, v3, vm0, $0xb8;
	[tilespmem:$0x1C200] =	vst v63  }
0x5c: {  	s12 =	simm.s32 $0xBA00  }
0x5d: {  	[tilespmem:s12], [sflag:$0x1] =	stream.indirect_vreg.gather [hbm4b:s7+s3], $0x80, v3, vm0, $0xb8;
	[tilespmem:$0x1C200] =	vst v63  }
0x5e: {  	v3 =	vld.msk [tilespmem:$0x30], $0xff;
	_ =	sdelay $0x4  }
0x5f: {  	v30 =	vshll.u32 v3, $0x3  }
0x60: {  	v3 =	vand.u32 $0x7, v3;
	v4 =	vand.u32 $0xFFFFFFC0, v30  }
0x61: {  	v3 =	vor.u32 v3, v4  }
0x62: {  	v3 =	vperm.xlane v3, v0;
	_ =	sdelay $0x1  }
0x63: {  	v3 =	vadd.s32 v1, v3;
	_ =	sdelay $0x3  }
0x64: {  	s14 =	simm.s32 $0xC200  }
0x65: {  	[tilespmem:s14], [sflag:$0x1] =	stream.indirect_vreg.gather [hbm4b:s2+s3], $0x80, v3, vm0, $0xb8;
	[tilespmem:$0x1C200] =	vst v63  }
0x66: {  	s16 =	simm.s32 $0xCA00  }
0x67: {  	[tilespmem:s16], [sflag:$0x1] =	stream.indirect_vreg.gather [hbm4b:s5+s3], $0x80, v3, vm0, $0xb8;
	[tilespmem:$0x1C200] =	vst v63  }
0x68: {  	s17 =	simm.s32 $0xD200  }
0x69: {  	[tilespmem:s17], [sflag:$0x1] =	stream.indirect_vreg.gather [hbm4b:s6+s3], $0x80, v3, vm0, $0xb8;
	[tilespmem:$0x1C200] =	vst v63  }
0x6a: {  	s22 =	simm.s32 $0xDA00  }
0x6b: {  	[tilespmem:s22], [sflag:$0x1] =	stream.indirect_vreg.gather [hbm4b:s7+s3], $0x80, v3, vm0, $0xb8;
	[tilespmem:$0x1C200] =	vst v63  }
0x6c: {  	v3 =	vld [tilespmem:$0x38];
	_ =	sdelay $0x4  }
0x6d: {  	v31 =	vshll.u32 v3, $0x3  }
0x6e: {  	v3 =	vand.u32 $0x7, v3;
	v4 =	vand.u32 $0xFFFFFFC0, v31  }
0x6f: {  	v3 =	vor.u32 v3, v4  }
0x70: {  	v4 =	vperm.xlane v3, v0;
	_ =	sdelay $0x1  }
0x71: {  	v4 =	vadd.s32 v1, v4;
	_ =	sdelay $0x4  }
0x72: {  	[tilespmem:s9], [sflag:$0x2] =	stream.indirect_vreg.gather [hbm4b:s2+s3], $0x80, v4, vm0, $0xb8;
	[tilespmem:$0x1C200] =	vst v63  }
0x73: {  	s24 =	simm.s32 $0xEA00;
	v3 =	vperm.xlane v3, v2  }
0x74: {  	[tilespmem:s24], [sflag:$0x2] =	stream.indirect_vreg.gather [hbm4b:s5+s3], $0x80, v4, vm0, $0xb8;
	[tilespmem:$0x1C200] =	vst v63  }
0x75: {  	s28 =	simm.s32 $0xF200;
	v3 =	vadd.s32 v1, v3  }
0x76: {  	[tilespmem:s28], [sflag:$0x2] =	stream.indirect_vreg.gather [hbm4b:s6+s3], $0x80, v4, vm0, $0xb8;
	[tilespmem:$0x1C200] =	vst v63  }
0x77: {  	s29 =	simm.s32 $0xFA00  }
0x78: {  	[tilespmem:s29], [sflag:$0x2] =	stream.indirect_vreg.gather [hbm4b:s7+s3], $0x80, v4, vm0, $0xb8;
	[tilespmem:$0x1C200] =	vst v63  }
0x79: {  	s30 =	simm.s32 $0x10200  }
0x7a: {  	[tilespmem:s30], [sflag:$0x2] =	stream.indirect_vreg.gather [hbm4b:s2+s3], $0x80, v3, vm0, $0xb8;
	[tilespmem:$0x1C200] =	vst v63  }
0x7b: {  	s10 =	simm.s32 $0x10A00  }
0x7c: {  	[tilespmem:s10], [sflag:$0x2] =	stream.indirect_vreg.gather [hbm4b:s5+s3], $0x80, v3, vm0, $0xb8;
	[tilespmem:$0x1C200] =	vst v63  }
0x7d: {  	s12 =	simm.s32 $0x11200  }
0x7e: {  	[tilespmem:s12], [sflag:$0x2] =	stream.indirect_vreg.gather [hbm4b:s6+s3], $0x80, v3, vm0, $0xb8;
	[tilespmem:$0x1C200] =	vst v63  }
0x7f: {  	s14 =	simm.s32 $0x11A00  }
0x80: {  	[tilespmem:s14], [sflag:$0x2] =	stream.indirect_vreg.gather [hbm4b:s7+s3], $0x80, v3, vm0, $0xb8;
	[tilespmem:$0x1C200] =	vst v63  }
0x81: {  	v3 =	vld [tilespmem:$0x48];
	_ =	sdelay $0x4  }
0x82: {  	v32 =	vshll.u32 v3, $0x3  }
0x83: {  	v3 =	vand.u32 $0x7, v3;
	v4 =	vand.u32 $0xFFFFFFC0, v32  }
0x84: {  	v3 =	vor.u32 v3, v4  }
0x85: {  	v4 =	vperm.xlane v3, v0;
	_ =	sdelay $0x1  }
0x86: {  	v4 =	vadd.s32 v1, v4;
	_ =	sdelay $0x3  }
0x87: {  	s16 =	simm.s32 $0x12200  }
0x88: {  	[tilespmem:s16], [sflag:$0x2] =	stream.indirect_vreg.gather [hbm4b:s2+s3], $0x80, v4, vm0, $0xb8;
	[tilespmem:$0x1C200] =	vst v63  }
0x89: {  	s17 =	simm.s32 $0x12A00;
	v3 =	vperm.xlane v3, v2  }
0x8a: {  	[tilespmem:s17], [sflag:$0x2] =	stream.indirect_vreg.gather [hbm4b:s5+s3], $0x80, v4, vm0, $0xb8;
	[tilespmem:$0x1C200] =	vst v63  }
0x8b: {  	s22 =	simm.s32 $0x13200;
	v3 =	vadd.s32 v1, v3  }
0x8c: {  	[tilespmem:s22], [sflag:$0x2] =	stream.indirect_vreg.gather [hbm4b:s6+s3], $0x80, v4, vm0, $0xb8;
	[tilespmem:$0x1C200] =	vst v63  }
0x8d: {  	s24 =	simm.s32 $0x13A00  }
0x8e: {  	[tilespmem:s24], [sflag:$0x2] =	stream.indirect_vreg.gather [hbm4b:s7+s3], $0x80, v4, vm0, $0xb8;
	[tilespmem:$0x1C200] =	vst v63  }
0x8f: {  	s28 =	simm.s32 $0x14200  }
0x90: {  	[tilespmem:s28], [sflag:$0x2] =	stream.indirect_vreg.gather [hbm4b:s2+s3], $0x80, v3, vm0, $0xb8;
	[tilespmem:$0x1C200] =	vst v63  }
0x91: {  	s29 =	simm.s32 $0x14A00  }
0x92: {  	[tilespmem:s29], [sflag:$0x2] =	stream.indirect_vreg.gather [hbm4b:s5+s3], $0x80, v3, vm0, $0xb8;
	[tilespmem:$0x1C200] =	vst v63  }
0x93: {  	s30 =	simm.s32 $0x15200  }
0x94: {  	[tilespmem:s30], [sflag:$0x2] =	stream.indirect_vreg.gather [hbm4b:s6+s3], $0x80, v3, vm0, $0xb8;
	[tilespmem:$0x1C200] =	vst v63  }
0x95: {  	s10 =	simm.s32 $0x15A00  }
0x96: {  	[tilespmem:s10], [sflag:$0x2] =	stream.indirect_vreg.gather [hbm4b:s7+s3], $0x80, v3, vm0, $0xb8;
	[tilespmem:$0x1C200] =	vst v63  }
0x97: {  	v3 =	vld [tilespmem:$0x58];
	_ =	sdelay $0x4  }
0x98: {  	v33 =	vshll.u32 v3, $0x3  }
0x99: {  	v3 =	vand.u32 $0x7, v3;
	v4 =	vand.u32 $0xFFFFFFC0, v33  }
0x9a: {  	v3 =	vor.u32 v3, v4  }
0x9b: {  	v4 =	vperm.xlane v3, v0;
	_ =	sdelay $0x1  }
0x9c: {  	v4 =	vadd.s32 v1, v4;
	_ =	sdelay $0x3  }
0x9d: {  	s12 =	simm.s32 $0x16200  }
0x9e: {  	[tilespmem:s12], [sflag:$0x2] =	stream.indirect_vreg.gather [hbm4b:s2+s3], $0x80, v4, vm0, $0xb8;
	[tilespmem:$0x1C200] =	vst v63  }
0x9f: {  	s14 =	simm.s32 $0x16A00;
	v3 =	vperm.xlane v3, v2  }
0xa0: {  	[tilespmem:s14], [sflag:$0x2] =	stream.indirect_vreg.gather [hbm4b:s5+s3], $0x80, v4, vm0, $0xb8;
	[tilespmem:$0x1C200] =	vst v63  }
0xa1: {  	s16 =	simm.s32 $0x17200;
	v3 =	vadd.s32 v1, v3  }
0xa2: {  	[tilespmem:s16], [sflag:$0x2] =	stream.indirect_vreg.gather [hbm4b:s6+s3], $0x80, v4, vm0, $0xb8;
	[tilespmem:$0x1C200] =	vst v63  }
0xa3: {  	s17 =	simm.s32 $0x17A00  }
0xa4: {  	[tilespmem:s17], [sflag:$0x2] =	stream.indirect_vreg.gather [hbm4b:s7+s3], $0x80, v4, vm0, $0xb8;
	[tilespmem:$0x1C200] =	vst v63  }
0xa5: {  	s22 =	simm.s32 $0x18200  }
0xa6: {  	[tilespmem:s22], [sflag:$0x2] =	stream.indirect_vreg.gather [hbm4b:s2+s3], $0x80, v3, vm0, $0xb8;
	[tilespmem:$0x1C200] =	vst v63  }
0xa7: {  	s24 =	simm.s32 $0x18A00  }
0xa8: {  	[tilespmem:s24], [sflag:$0x2] =	stream.indirect_vreg.gather [hbm4b:s5+s3], $0x80, v3, vm0, $0xb8;
	[tilespmem:$0x1C200] =	vst v63  }
0xa9: {  	s28 =	simm.s32 $0x19200  }
0xaa: {  	[tilespmem:s28], [sflag:$0x2] =	stream.indirect_vreg.gather [hbm4b:s6+s3], $0x80, v3, vm0, $0xb8;
	[tilespmem:$0x1C200] =	vst v63  }
0xab: {  	s29 =	simm.s32 $0x19A00  }
0xac: {  	[tilespmem:s29], [sflag:$0x2] =	stream.indirect_vreg.gather [hbm4b:s7+s3], $0x80, v3, vm0, $0xb8;
	[tilespmem:$0x1C200] =	vst v63  }
0xad: {  	v3 =	vld.msk [tilespmem:$0x68], $0xff;
	_ =	sdelay $0x4  }
0xae: {  	v34 =	vshll.u32 v3, $0x3  }
0xaf: {  	v3 =	vand.u32 $0x7, v3;
	v4 =	vand.u32 $0xFFFFFFC0, v34  }
0xb0: {  	v3 =	vor.u32 v3, v4  }
0xb1: {  	v3 =	vperm.xlane v3, v0;
	_ =	sdelay $0x1  }
0xb2: {  	v3 =	vadd.s32 v1, v3;
	_ =	sdelay $0x3  }
0xb3: {  	s30 =	simm.s32 $0x1A200  }
0xb4: {  	[tilespmem:s30], [sflag:$0x2] =	stream.indirect_vreg.gather [hbm4b:s2+s3], $0x80, v3, vm0, $0xb8;
	[tilespmem:$0x1C200] =	vst v63  }
0xb5: {  	s10 =	simm.s32 $0x1AA00  }
0xb6: {  	[tilespmem:s10], [sflag:$0x2] =	stream.indirect_vreg.gather [hbm4b:s5+s3], $0x80, v3, vm0, $0xb8;
	[tilespmem:$0x1C200] =	vst v63  }
0xb7: {  	s12 =	simm.s32 $0x1B200  }
0xb8: {  	[tilespmem:s12], [sflag:$0x2] =	stream.indirect_vreg.gather [hbm4b:s6+s3], $0x80, v3, vm0, $0xb8;
	[tilespmem:$0x1C200] =	vst v63  }
0xb9: {  	s14 =	simm.s32 $0x1BA00  }
0xba: {  	[tilespmem:s14], [sflag:$0x2] =	stream.indirect_vreg.gather [hbm4b:s7+s3], $0x80, v3, vm0, $0xb8;
	[tilespmem:$0x1C200] =	vst v63  }
0xbb: {  	_ =	swait.ge [sflag:s18], $0xE000  }
0xbc: {  	[sflag:s18] =	ssyncset.done $0x0  }
0xbd: {  	s17 =	simm.s32 $0x200;
	s16 =	rddreg [dreg:$0xf];
	[sflag:s18] =	ssyncadd.s32 $0xFFFF2000  }
0xbe: {  	[hbm4b:s16+s3] =	stream.linear.scatter [tilespmem:s17], [sflag:$0x3], $0xE000, $0x38;
	[tilespmem:$0x1C200] =	vst v63  }
0xbf: {  	_ =	swait.ge [sflag:s19], $0xE000  }
0xc0: {  	[sflag:s19] =	ssyncset.done $0x0  }
0xc1: {  	[sflag:s19] =	ssyncadd.s32 $0xFFFF2000  }
0xc2: {  	v3 =	vld [tilespmem:$0x70];
	_ =	sdelay $0x4  }
0xc3: {  	v35 =	vshll.u32 v3, $0x3  }
0xc4: {  	v3 =	vand.u32 $0x7, v3;
	v4 =	vand.u32 $0xFFFFFFC0, v35  }
0xc5: {  	v3 =	vor.u32 v3, v4  }
0xc6: {  	v4 =	vperm.xlane v3, v0;
	_ =	sdelay $0x1  }
0xc7: {  	v4 =	vadd.s32 v1, v4;
	_ =	sdelay $0x4  }
0xc8: {  	[tilespmem:s17], [sflag:$0x1] =	stream.indirect_vreg.gather [hbm4b:s2+s3], $0x80, v4, vm0, $0xb8;
	[tilespmem:$0x1C200] =	vst v63  }
0xc9: {  	s4 =	simm.s32 $0xA00;
	v3 =	vperm.xlane v3, v2  }
0xca: {  	[tilespmem:s4], [sflag:$0x1] =	stream.indirect_vreg.gather [hbm4b:s5+s3], $0x80, v4, vm0, $0xb8;
	[tilespmem:$0x1C200] =	vst v63  }
0xcb: {  	s1 =	simm.s32 $0x1200;
	v3 =	vadd.s32 v1, v3  }
0xcc: {  	[tilespmem:s1], [sflag:$0x1] =	stream.indirect_vreg.gather [hbm4b:s6+s3], $0x80, v4, vm0, $0xb8;
	[tilespmem:$0x1C200] =	vst v63  }
0xcd: {  	s14 =	simm.s32 $0x1A00  }
0xce: {  	[tilespmem:s14], [sflag:$0x1] =	stream.indirect_vreg.gather [hbm4b:s7+s3], $0x80, v4, vm0, $0xb8;
	[tilespmem:$0x1C200] =	vst v63  }
0xcf: {  	s4 =	simm.s32 $0x2200  }
0xd0: {  	[tilespmem:s4], [sflag:$0x1] =	stream.indirect_vreg.gather [hbm4b:s2+s3], $0x80, v3, vm0, $0xb8;
	[tilespmem:$0x1C200] =	vst v63  }
0xd1: {  	s10 =	simm.s32 $0x2A00  }
0xd2: {  	[tilespmem:s10], [sflag:$0x1] =	stream.indirect_vreg.gather [hbm4b:s5+s3], $0x80, v3, vm0, $0xb8;
	[tilespmem:$0x1C200] =	vst v63  }
0xd3: {  	s12 =	simm.s32 $0x3200  }
0xd4: {  	[tilespmem:s12], [sflag:$0x1] =	stream.indirect_vreg.gather [hbm4b:s6+s3], $0x80, v3, vm0, $0xb8;
	[tilespmem:$0x1C200] =	vst v63  }
0xd5: {  	s11 =	simm.s32 $0x3A00  }
0xd6: {  	[tilespmem:s11], [sflag:$0x1] =	stream.indirect_vreg.gather [hbm4b:s7+s3], $0x80, v3, vm0, $0xb8;
	[tilespmem:$0x1C200] =	vst v63  }
0xd7: {  	v3 =	vld [tilespmem:$0x80];
	_ =	sdelay $0x4  }
0xd8: {  	v36 =	vshll.u32 v3, $0x3  }
0xd9: {  	v3 =	vand.u32 $0x7, v3;
	v4 =	vand.u32 $0xFFFFFFC0, v36  }
0xda: {  	v3 =	vor.u32 v3, v4  }
0xdb: {  	v4 =	vperm.xlane v3, v0;
	_ =	sdelay $0x1  }
0xdc: {  	v4 =	vadd.s32 v1, v4;
	_ =	sdelay $0x3  }
0xdd: {  	s13 =	simm.s32 $0x4200  }
0xde: {  	[tilespmem:s13], [sflag:$0x1] =	stream.indirect_vreg.gather [hbm4b:s2+s3], $0x80, v4, vm0, $0xb8;
	[tilespmem:$0x1C200] =	vst v63  }
0xdf: {  	s15 =	simm.s32 $0x4A00;
	v3 =	vperm.xlane v3, v2  }
0xe0: {  	[tilespmem:s15], [sflag:$0x1] =	stream.indirect_vreg.gather [hbm4b:s5+s3], $0x80, v4, vm0, $0xb8;
	[tilespmem:$0x1C200] =	vst v63  }
0xe1: {  	v3 =	vadd.s32 v1, v3;
	s13 =	simm.s32 $0x5200  }
0xe2: {  	[tilespmem:s13], [sflag:$0x1] =	stream.indirect_vreg.gather [hbm4b:s6+s3], $0x80, v4, vm0, $0xb8;
	[tilespmem:$0x1C200] =	vst v63  }
0xe3: {  	s15 =	simm.s32 $0x5A00  }
0xe4: {  	[tilespmem:s15], [sflag:$0x1] =	stream.indirect_vreg.gather [hbm4b:s7+s3], $0x80, v4, vm0, $0xb8;
	[tilespmem:$0x1C200] =	vst v63  }
0xe5: {  	s16 =	simm.s32 $0x6200  }
0xe6: {  	[tilespmem:s16], [sflag:$0x1] =	stream.indirect_vreg.gather [hbm4b:s2+s3], $0x80, v3, vm0, $0xb8;
	[tilespmem:$0x1C200] =	vst v63  }
0xe7: {  	s17 =	simm.s32 $0x6A00  }
0xe8: {  	[tilespmem:s17], [sflag:$0x1] =	stream.indirect_vreg.gather [hbm4b:s5+s3], $0x80, v3, vm0, $0xb8;
	[tilespmem:$0x1C200] =	vst v63  }
0xe9: {  	s24 =	simm.s32 $0x7200  }
0xea: {  	[tilespmem:s24], [sflag:$0x1] =	stream.indirect_vreg.gather [hbm4b:s6+s3], $0x80, v3, vm0, $0xb8;
	[tilespmem:$0x1C200] =	vst v63  }
0xeb: {  	s23 =	simm.s32 $0x7A00  }
0xec: {  	[tilespmem:s23], [sflag:$0x1] =	stream.indirect_vreg.gather [hbm4b:s7+s3], $0x80, v3, vm0, $0xb8;
	[tilespmem:$0x1C200] =	vst v63  }
0xed: {  	v3 =	vld [tilespmem:$0x90];
	_ =	sdelay $0x4  }
0xee: {  	v37 =	vshll.u32 v3, $0x3  }
0xef: {  	v3 =	vand.u32 $0x7, v3;
	v4 =	vand.u32 $0xFFFFFFC0, v37  }
0xf0: {  	v3 =	vor.u32 v3, v4  }
0xf1: {  	v4 =	vperm.xlane v3, v0;
	_ =	sdelay $0x1  }
0xf2: {  	v4 =	vadd.s32 v1, v4;
	_ =	sdelay $0x3  }
0xf3: {  	s25 =	simm.s32 $0x8200  }
0xf4: {  	[tilespmem:s25], [sflag:$0x1] =	stream.indirect_vreg.gather [hbm4b:s2+s3], $0x80, v4, vm0, $0xb8;
	[tilespmem:$0x1C200] =	vst v63  }
0xf5: {  	s26 =	simm.s32 $0x8A00;
	v3 =	vperm.xlane v3, v2  }
0xf6: {  	[tilespmem:s26], [sflag:$0x1] =	stream.indirect_vreg.gather [hbm4b:s5+s3], $0x80, v4, vm0, $0xb8;
	[tilespmem:$0x1C200] =	vst v63  }
0xf7: {  	v3 =	vadd.s32 v1, v3;
	s25 =	simm.s32 $0x9200  }
0xf8: {  	[tilespmem:s25], [sflag:$0x1] =	stream.indirect_vreg.gather [hbm4b:s6+s3], $0x80, v4, vm0, $0xb8;
	[tilespmem:$0x1C200] =	vst v63  }
0xf9: {  	s26 =	simm.s32 $0x9A00  }
0xfa: {  	[tilespmem:s26], [sflag:$0x1] =	stream.indirect_vreg.gather [hbm4b:s7+s3], $0x80, v4, vm0, $0xb8;
	[tilespmem:$0x1C200] =	vst v63  }
0xfb: {  	s28 =	simm.s32 $0xA200  }
0xfc: {  	[tilespmem:s28], [sflag:$0x1] =	stream.indirect_vreg.gather [hbm4b:s2+s3], $0x80, v3, vm0, $0xb8;
	[tilespmem:$0x1C200] =	vst v63  }
0xfd: {  	s29 =	simm.s32 $0xAA00  }
0xfe: {  	[tilespmem:s29], [sflag:$0x1] =	stream.indirect_vreg.gather [hbm4b:s5+s3], $0x80, v3, vm0, $0xb8;
	[tilespmem:$0x1C200] =	vst v63  }
0xff: {  	s30 =	simm.s32 $0xB200  }
0x100: {  	[tilespmem:s30], [sflag:$0x1] =	stream.indirect_vreg.gather [hbm4b:s6+s3], $0x80, v3, vm0, $0xb8;
	[tilespmem:$0x1C200] =	vst v63  }
0x101: {  	s31 =	simm.s32 $0xBA00  }
0x102: {  	[tilespmem:s31], [sflag:$0x1] =	stream.indirect_vreg.gather [hbm4b:s7+s3], $0x80, v3, vm0, $0xb8;
	[tilespmem:$0x1C200] =	vst v63  }
0x103: {  	v3 =	vld.msk [tilespmem:$0xA0], $0xff;
	_ =	sdelay $0x4  }
0x104: {  	v38 =	vshll.u32 v3, $0x3  }
0x105: {  	v3 =	vand.u32 $0x7, v3;
	v4 =	vand.u32 $0xFFFFFFC0, v38  }
0x106: {  	v3 =	vor.u32 v3, v4  }
0x107: {  	v3 =	vperm.xlane v3, v0;
	_ =	sdelay $0x1  }
0x108: {  	v3 =	vadd.s32 v1, v3;
	_ =	sdelay $0x3  }
0x109: {  	s31 =	simm.s32 $0xC200  }
0x10a: {  	[tilespmem:s31], [sflag:$0x1] =	stream.indirect_vreg.gather [hbm4b:s2+s3], $0x80, v3, vm0, $0xb8;
	[tilespmem:$0x1C200] =	vst v63  }
0x10b: {  	s11 =	simm.s32 $0xCA00  }
0x10c: {  	[tilespmem:s11], [sflag:$0x1] =	stream.indirect_vreg.gather [hbm4b:s5+s3], $0x80, v3, vm0, $0xb8;
	[tilespmem:$0x1C200] =	vst v63  }
0x10d: {  	s23 =	simm.s32 $0xD200  }
0x10e: {  	[tilespmem:s23], [sflag:$0x1] =	stream.indirect_vreg.gather [hbm4b:s6+s3], $0x80, v3, vm0, $0xb8;
	[tilespmem:$0x1C200] =	vst v63  }
0x10f: {  	s22 =	simm.s32 $0xDA00  }
0x110: {  	[tilespmem:s22], [sflag:$0x1] =	stream.indirect_vreg.gather [hbm4b:s7+s3], $0x80, v3, vm0, $0xb8;
	[tilespmem:$0x1C200] =	vst v63  }
0x111: {  	_ =	swait.ge [sflag:s20], $0xE000  }
0x112: {  	[sflag:s20] =	ssyncset.done $0x0  }
0x113: {  	s1 =	rddreg [dreg:$0x5];
	[sflag:s20] =	ssyncadd.s32 $0xFFFF2000  }
0x114: {  	[hbm4b:s1+s3] =	stream.linear.scatter [tilespmem:s9], [sflag:$0x4], $0xE000, $0x38;
	[tilespmem:$0x1C200] =	vst v63  }
0x115: {  	_ =	swait.ge [sflag:s21], $0xE000  }
0x116: {  	[sflag:s21] =	ssyncset.done $0x0  }
0x117: {  	[sflag:s21] =	ssyncadd.s32 $0xFFFF2000  }
0x118: {  	v3 =	vld [tilespmem:$0xA8];
	_ =	sdelay $0x4  }
0x119: {  	v39 =	vshll.u32 v3, $0x3  }
0x11a: {  	v3 =	vand.u32 $0x7, v3;
	v4 =	vand.u32 $0xFFFFFFC0, v39  }
0x11b: {  	v3 =	vor.u32 v3, v4  }
0x11c: {  	v4 =	vperm.xlane v3, v0;
	_ =	sdelay $0x1  }
0x11d: {  	v4 =	vadd.s32 v1, v4;
	_ =	sdelay $0x4  }
0x11e: {  	[tilespmem:s9], [sflag:$0x2] =	stream.indirect_vreg.gather [hbm4b:s2+s3], $0x80, v4, vm0, $0xb8;
	[tilespmem:$0x1C200] =	vst v63  }
0x11f: {  	s22 =	simm.s32 $0xEA00;
	v3 =	vperm.xlane v3, v2  }
0x120: {  	[tilespmem:s22], [sflag:$0x2] =	stream.indirect_vreg.gather [hbm4b:s5+s3], $0x80, v4, vm0, $0xb8;
	[tilespmem:$0x1C200] =	vst v63  }
0x121: {  	v3 =	vadd.s32 v1, v3;
	s22 =	simm.s32 $0xF200  }
0x122: {  	[tilespmem:s22], [sflag:$0x2] =	stream.indirect_vreg.gather [hbm4b:s6+s3], $0x80, v4, vm0, $0xb8;
	[tilespmem:$0x1C200] =	vst v63  }
0x123: {  	s22 =	simm.s32 $0xFA00  }
0x124: {  	[tilespmem:s22], [sflag:$0x2] =	stream.indirect_vreg.gather [hbm4b:s7+s3], $0x80, v4, vm0, $0xb8;
	[tilespmem:$0x1C200] =	vst v63  }
0x125: {  	s1 =	simm.s32 $0x10200  }
0x126: {  	[tilespmem:s1], [sflag:$0x2] =	stream.indirect_vreg.gather [hbm4b:s2+s3], $0x80, v3, vm0, $0xb8;
	[tilespmem:$0x1C200] =	vst v63  }
0x127: {  	s22 =	simm.s32 $0x10A00  }
0x128: {  	[tilespmem:s22], [sflag:$0x2] =	stream.indirect_vreg.gather [hbm4b:s5+s3], $0x80, v3, vm0, $0xb8;
	[tilespmem:$0x1C200] =	vst v63  }
0x129: {  	s22 =	simm.s32 $0x11200  }
0x12a: {  	[tilespmem:s22], [sflag:$0x2] =	stream.indirect_vreg.gather [hbm4b:s6+s3], $0x80, v3, vm0, $0xb8;
	[tilespmem:$0x1C200] =	vst v63  }
0x12b: {  	s22 =	simm.s32 $0x11A00  }
0x12c: {  	[tilespmem:s22], [sflag:$0x2] =	stream.indirect_vreg.gather [hbm4b:s7+s3], $0x80, v3, vm0, $0xb8;
	[tilespmem:$0x1C200] =	vst v63  }
0x12d: {  	v3 =	vld [tilespmem:$0xB8];
	_ =	sdelay $0x4  }
0x12e: {  	v40 =	vshll.u32 v3, $0x3  }
0x12f: {  	v3 =	vand.u32 $0x7, v3;
	v4 =	vand.u32 $0xFFFFFFC0, v40  }
0x130: {  	v3 =	vor.u32 v3, v4  }
0x131: {  	v4 =	vperm.xlane v3, v0;
	_ =	sdelay $0x1  }
0x132: {  	v4 =	vadd.s32 v1, v4;
	_ =	sdelay $0x3  }
0x133: {  	s22 =	simm.s32 $0x12200  }
0x134: {  	[tilespmem:s22], [sflag:$0x2] =	stream.indirect_vreg.gather [hbm4b:s2+s3], $0x80, v4, vm0, $0xb8;
	[tilespmem:$0x1C200] =	vst v63  }
0x135: {  	v3 =	vperm.xlane v3, v2;
	s22 =	simm.s32 $0x12A00  }
0x136: {  	[tilespmem:s22], [sflag:$0x2] =	stream.indirect_vreg.gather [hbm4b:s5+s3], $0x80, v4, vm0, $0xb8;
	[tilespmem:$0x1C200] =	vst v63  }
0x137: {  	v3 =	vadd.s32 v1, v3;
	s22 =	simm.s32 $0x13200  }
0x138: {  	[tilespmem:s22], [sflag:$0x2] =	stream.indirect_vreg.gather [hbm4b:s6+s3], $0x80, v4, vm0, $0xb8;
	[tilespmem:$0x1C200] =	vst v63  }
0x139: {  	s22 =	simm.s32 $0x13A00  }
0x13a: {  	[tilespmem:s22], [sflag:$0x2] =	stream.indirect_vreg.gather [hbm4b:s7+s3], $0x80, v4, vm0, $0xb8;
	[tilespmem:$0x1C200] =	vst v63  }
0x13b: {  	s22 =	simm.s32 $0x14200  }
0x13c: {  	[tilespmem:s22], [sflag:$0x2] =	stream.indirect_vreg.gather [hbm4b:s2+s3], $0x80, v3, vm0, $0xb8;
	[tilespmem:$0x1C200] =	vst v63  }
0x13d: {  	s22 =	simm.s32 $0x14A00  }
0x13e: {  	[tilespmem:s22], [sflag:$0x2] =	stream.indirect_vreg.gather [hbm4b:s5+s3], $0x80, v3, vm0, $0xb8;
	[tilespmem:$0x1C200] =	vst v63  }
0x13f: {  	s22 =	simm.s32 $0x15200  }
0x140: {  	[tilespmem:s22], [sflag:$0x2] =	stream.indirect_vreg.gather [hbm4b:s6+s3], $0x80, v3, vm0, $0xb8;
	[tilespmem:$0x1C200] =	vst v63  }
0x141: {  	s22 =	simm.s32 $0x15A00  }
0x142: {  	[tilespmem:s22], [sflag:$0x2] =	stream.indirect_vreg.gather [hbm4b:s7+s3], $0x80, v3, vm0, $0xb8;
	[tilespmem:$0x1C200] =	vst v63  }
0x143: {  	v3 =	vld [tilespmem:$0xC8];
	_ =	sdelay $0x4  }
0x144: {  	v41 =	vshll.u32 v3, $0x3  }
0x145: {  	v3 =	vand.u32 $0x7, v3;
	v4 =	vand.u32 $0xFFFFFFC0, v41  }
0x146: {  	v3 =	vor.u32 v3, v4  }
0x147: {  	v4 =	vperm.xlane v3, v0;
	_ =	sdelay $0x1  }
0x148: {  	v4 =	vadd.s32 v1, v4;
	_ =	sdelay $0x3  }
0x149: {  	s22 =	simm.s32 $0x16200  }
0x14a: {  	[tilespmem:s22], [sflag:$0x2] =	stream.indirect_vreg.gather [hbm4b:s2+s3], $0x80, v4, vm0, $0xb8;
	[tilespmem:$0x1C200] =	vst v63  }
0x14b: {  	v3 =	vperm.xlane v3, v2;
	s22 =	simm.s32 $0x16A00  }
0x14c: {  	[tilespmem:s22], [sflag:$0x2] =	stream.indirect_vreg.gather [hbm4b:s5+s3], $0x80, v4, vm0, $0xb8;
	[tilespmem:$0x1C200] =	vst v63  }
0x14d: {  	v3 =	vadd.s32 v1, v3;
	s22 =	simm.s32 $0x17200  }
0x14e: {  	[tilespmem:s22], [sflag:$0x2] =	stream.indirect_vreg.gather [hbm4b:s6+s3], $0x80, v4, vm0, $0xb8;
	[tilespmem:$0x1C200] =	vst v63  }
0x14f: {  	s22 =	simm.s32 $0x17A00  }
0x150: {  	[tilespmem:s22], [sflag:$0x2] =	stream.indirect_vreg.gather [hbm4b:s7+s3], $0x80, v4, vm0, $0xb8;
	[tilespmem:$0x1C200] =	vst v63  }
0x151: {  	s22 =	simm.s32 $0x18200  }
0x152: {  	[tilespmem:s22], [sflag:$0x2] =	stream.indirect_vreg.gather [hbm4b:s2+s3], $0x80, v3, vm0, $0xb8;
	[tilespmem:$0x1C200] =	vst v63  }
0x153: {  	s22 =	simm.s32 $0x18A00  }
0x154: {  	[tilespmem:s22], [sflag:$0x2] =	stream.indirect_vreg.gather [hbm4b:s5+s3], $0x80, v3, vm0, $0xb8;
	[tilespmem:$0x1C200] =	vst v63  }
0x155: {  	s22 =	simm.s32 $0x19200  }
0x156: {  	[tilespmem:s22], [sflag:$0x2] =	stream.indirect_vreg.gather [hbm4b:s6+s3], $0x80, v3, vm0, $0xb8;
	[tilespmem:$0x1C200] =	vst v63  }
0x157: {  	s22 =	simm.s32 $0x19A00  }
0x158: {  	[tilespmem:s22], [sflag:$0x2] =	stream.indirect_vreg.gather [hbm4b:s7+s3], $0x80, v3, vm0, $0xb8;
	[tilespmem:$0x1C200] =	vst v63  }
0x159: {  	v3 =	vld.msk [tilespmem:$0xD8], $0xff;
	_ =	sdelay $0x4  }
0x15a: {  	v42 =	vshll.u32 v3, $0x3  }
0x15b: {  	v3 =	vand.u32 $0x7, v3;
	v4 =	vand.u32 $0xFFFFFFC0, v42  }
0x15c: {  	v3 =	vor.u32 v3, v4  }
0x15d: {  	v3 =	vperm.xlane v3, v0;
	_ =	sdelay $0x1  }
0x15e: {  	v3 =	vadd.s32 v1, v3;
	_ =	sdelay $0x3  }
0x15f: {  	s22 =	simm.s32 $0x1A200  }
0x160: {  	[tilespmem:s22], [sflag:$0x2] =	stream.indirect_vreg.gather [hbm4b:s2+s3], $0x80, v3, vm0, $0xb8;
	[tilespmem:$0x1C200] =	vst v63  }
0x161: {  	s22 =	simm.s32 $0x1AA00  }
0x162: {  	[tilespmem:s22], [sflag:$0x2] =	stream.indirect_vreg.gather [hbm4b:s5+s3], $0x80, v3, vm0, $0xb8;
	[tilespmem:$0x1C200] =	vst v63  }
0x163: {  	s22 =	simm.s32 $0x1B200  }
0x164: {  	[tilespmem:s22], [sflag:$0x2] =	stream.indirect_vreg.gather [hbm4b:s6+s3], $0x80, v3, vm0, $0xb8;
	[tilespmem:$0x1C200] =	vst v63  }
0x165: {  	s22 =	simm.s32 $0x1BA00  }
0x166: {  	[tilespmem:s22], [sflag:$0x2] =	stream.indirect_vreg.gather [hbm4b:s7+s3], $0x80, v3, vm0, $0xb8;
	[tilespmem:$0x1C200] =	vst v63  }
0x167: {  	_ =	swait.ge [sflag:s18], $0xE000  }
0x168: {  	[sflag:s18] =	ssyncset.done $0x0  }
0x169: {  	s0 =	simm.s32 $0x200;
	s22 =	rddreg [dreg:$0x6];
	[sflag:s18] =	ssyncadd.s32 $0xFFFF2000  }
0x16a: {  	[hbm4b:s22+s3] =	stream.linear.scatter [tilespmem:s0], [sflag:$0x3], $0xE000, $0x38;
	[tilespmem:$0x1C200] =	vst v63  }
0x16b: {  	_ =	swait.ge [sflag:s19], $0xE000  }
0x16c: {  	[sflag:s19] =	ssyncset.done $0x0  }
0x16d: {  	[sflag:s19] =	ssyncadd.s32 $0xFFFF2000  }
0x16e: {  	v3 =	vld [tilespmem:$0xE0];
	_ =	sdelay $0x4  }
0x16f: {  	v43 =	vshll.u32 v3, $0x3  }
0x170: {  	v3 =	vand.u32 $0x7, v3;
	v4 =	vand.u32 $0xFFFFFFC0, v43  }
0x171: {  	v3 =	vor.u32 v3, v4  }
0x172: {  	v4 =	vperm.xlane v3, v0;
	_ =	sdelay $0x1  }
0x173: {  	v4 =	vadd.s32 v1, v4;
	_ =	sdelay $0x4  }
0x174: {  	[tilespmem:s0], [sflag:$0x1] =	stream.indirect_vreg.gather [hbm4b:s2+s3], $0x80, v4, vm0, $0xb8;
	[tilespmem:$0x1C200] =	vst v63  }
0x175: {  	s22 =	simm.s32 $0xA00;
	v3 =	vperm.xlane v3, v2  }
0x176: {  	[tilespmem:s22], [sflag:$0x1] =	stream.indirect_vreg.gather [hbm4b:s5+s3], $0x80, v4, vm0, $0xb8;
	[tilespmem:$0x1C200] =	vst v63  }
0x177: {  	v3 =	vadd.s32 v1, v3;
	s22 =	simm.s32 $0x1200  }
0x178: {  	[tilespmem:s22], [sflag:$0x1] =	stream.indirect_vreg.gather [hbm4b:s6+s3], $0x80, v4, vm0, $0xb8;
	[tilespmem:$0x1C200] =	vst v63  }
0x179: {  	_ = 	snop  }
0x17a: {  	[tilespmem:s14], [sflag:$0x1] =	stream.indirect_vreg.gather [hbm4b:s7+s3], $0x80, v4, vm0, $0xb8;
	[tilespmem:$0x1C200] =	vst v63  }
0x17b: {  	_ = 	snop  }
0x17c: {  	[tilespmem:s4], [sflag:$0x1] =	stream.indirect_vreg.gather [hbm4b:s2+s3], $0x80, v3, vm0, $0xb8;
	[tilespmem:$0x1C200] =	vst v63  }
0x17d: {  	_ = 	snop  }
0x17e: {  	[tilespmem:s10], [sflag:$0x1] =	stream.indirect_vreg.gather [hbm4b:s5+s3], $0x80, v3, vm0, $0xb8;
	[tilespmem:$0x1C200] =	vst v63  }
0x17f: {  	_ = 	snop  }
0x180: {  	[tilespmem:s12], [sflag:$0x1] =	stream.indirect_vreg.gather [hbm4b:s6+s3], $0x80, v3, vm0, $0xb8;
	[tilespmem:$0x1C200] =	vst v63  }
0x181: {  	s4 =	simm.s32 $0x3A00  }
0x182: {  	[tilespmem:s4], [sflag:$0x1] =	stream.indirect_vreg.gather [hbm4b:s7+s3], $0x80, v3, vm0, $0xb8;
	[tilespmem:$0x1C200] =	vst v63  }
0x183: {  	v3 =	vld [tilespmem:$0xF0];
	_ =	sdelay $0x4  }
0x184: {  	v44 =	vshll.u32 v3, $0x3  }
0x185: {  	v3 =	vand.u32 $0x7, v3;
	v4 =	vand.u32 $0xFFFFFFC0, v44  }
0x186: {  	v3 =	vor.u32 v3, v4  }
0x187: {  	v4 =	vperm.xlane v3, v0;
	_ =	sdelay $0x1  }
0x188: {  	v4 =	vadd.s32 v1, v4;
	_ =	sdelay $0x3  }
0x189: {  	s10 =	simm.s32 $0x4200  }
0x18a: {  	[tilespmem:s10], [sflag:$0x1] =	stream.indirect_vreg.gather [hbm4b:s2+s3], $0x80, v4, vm0, $0xb8;
	[tilespmem:$0x1C200] =	vst v63  }
0x18b: {  	s12 =	simm.s32 $0x4A00;
	v3 =	vperm.xlane v3, v2  }
0x18c: {  	[tilespmem:s12], [sflag:$0x1] =	stream.indirect_vreg.gather [hbm4b:s5+s3], $0x80, v4, vm0, $0xb8;
	[tilespmem:$0x1C200] =	vst v63  }
0x18d: {  	v3 =	vadd.s32 v1, v3  }
0x18e: {  	[tilespmem:s13], [sflag:$0x1] =	stream.indirect_vreg.gather [hbm4b:s6+s3], $0x80, v4, vm0, $0xb8;
	[tilespmem:$0x1C200] =	vst v63  }
0x18f: {  	_ = 	snop  }
0x190: {  	[tilespmem:s15], [sflag:$0x1] =	stream.indirect_vreg.gather [hbm4b:s7+s3], $0x80, v4, vm0, $0xb8;
	[tilespmem:$0x1C200] =	vst v63  }
0x191: {  	_ = 	snop  }
0x192: {  	[tilespmem:s16], [sflag:$0x1] =	stream.indirect_vreg.gather [hbm4b:s2+s3], $0x80, v3, vm0, $0xb8;
	[tilespmem:$0x1C200] =	vst v63  }
0x193: {  	_ = 	snop  }
0x194: {  	[tilespmem:s17], [sflag:$0x1] =	stream.indirect_vreg.gather [hbm4b:s5+s3], $0x80, v3, vm0, $0xb8;
	[tilespmem:$0x1C200] =	vst v63  }
0x195: {  	_ = 	snop  }
0x196: {  	[tilespmem:s24], [sflag:$0x1] =	stream.indirect_vreg.gather [hbm4b:s6+s3], $0x80, v3, vm0, $0xb8;
	[tilespmem:$0x1C200] =	vst v63  }
0x197: {  	s14 =	simm.s32 $0x7A00  }
0x198: {  	[tilespmem:s14], [sflag:$0x1] =	stream.indirect_vreg.gather [hbm4b:s7+s3], $0x80, v3, vm0, $0xb8;
	[tilespmem:$0x1C200] =	vst v63  }
0x199: {  	v3 =	vld [tilespmem:$0x100];
	_ =	sdelay $0x4  }
0x19a: {  	v45 =	vshll.u32 v3, $0x3  }
0x19b: {  	v3 =	vand.u32 $0x7, v3;
	v4 =	vand.u32 $0xFFFFFFC0, v45  }
0x19c: {  	v3 =	vor.u32 v3, v4  }
0x19d: {  	v4 =	vperm.xlane v3, v0;
	_ =	sdelay $0x1  }
0x19e: {  	v4 =	vadd.s32 v1, v4;
	_ =	sdelay $0x3  }
0x19f: {  	s15 =	simm.s32 $0x8200  }
0x1a0: {  	[tilespmem:s15], [sflag:$0x1] =	stream.indirect_vreg.gather [hbm4b:s2+s3], $0x80, v4, vm0, $0xb8;
	[tilespmem:$0x1C200] =	vst v63  }
0x1a1: {  	s16 =	simm.s32 $0x8A00;
	v3 =	vperm.xlane v3, v2  }
0x1a2: {  	[tilespmem:s16], [sflag:$0x1] =	stream.indirect_vreg.gather [hbm4b:s5+s3], $0x80, v4, vm0, $0xb8;
	[tilespmem:$0x1C200] =	vst v63  }
0x1a3: {  	v3 =	vadd.s32 v1, v3  }
0x1a4: {  	[tilespmem:s25], [sflag:$0x1] =	stream.indirect_vreg.gather [hbm4b:s6+s3], $0x80, v4, vm0, $0xb8;
	[tilespmem:$0x1C200] =	vst v63  }
0x1a5: {  	_ = 	snop  }
0x1a6: {  	[tilespmem:s26], [sflag:$0x1] =	stream.indirect_vreg.gather [hbm4b:s7+s3], $0x80, v4, vm0, $0xb8;
	[tilespmem:$0x1C200] =	vst v63  }
0x1a7: {  	_ = 	snop  }
0x1a8: {  	[tilespmem:s28], [sflag:$0x1] =	stream.indirect_vreg.gather [hbm4b:s2+s3], $0x80, v3, vm0, $0xb8;
	[tilespmem:$0x1C200] =	vst v63  }
0x1a9: {  	_ = 	snop  }
0x1aa: {  	[tilespmem:s29], [sflag:$0x1] =	stream.indirect_vreg.gather [hbm4b:s5+s3], $0x80, v3, vm0, $0xb8;
	[tilespmem:$0x1C200] =	vst v63  }
0x1ab: {  	_ = 	snop  }
0x1ac: {  	[tilespmem:s30], [sflag:$0x1] =	stream.indirect_vreg.gather [hbm4b:s6+s3], $0x80, v3, vm0, $0xb8;
	[tilespmem:$0x1C200] =	vst v63  }
0x1ad: {  	s17 =	simm.s32 $0xBA00  }
0x1ae: {  	[tilespmem:s17], [sflag:$0x1] =	stream.indirect_vreg.gather [hbm4b:s7+s3], $0x80, v3, vm0, $0xb8;
	[tilespmem:$0x1C200] =	vst v63  }
0x1af: {  	v3 =	vld.msk [tilespmem:$0x110], $0xff;
	_ =	sdelay $0x4  }
0x1b0: {  	v46 =	vshll.u32 v3, $0x3  }
0x1b1: {  	v3 =	vand.u32 $0x7, v3;
	v4 =	vand.u32 $0xFFFFFFC0, v46  }
0x1b2: {  	v3 =	vor.u32 v3, v4  }
0x1b3: {  	v3 =	vperm.xlane v3, v0;
	_ =	sdelay $0x1  }
0x1b4: {  	v3 =	vadd.s32 v1, v3;
	_ =	sdelay $0x4  }
0x1b5: {  	[tilespmem:s31], [sflag:$0x1] =	stream.indirect_vreg.gather [hbm4b:s2+s3], $0x80, v3, vm0, $0xb8;
	[tilespmem:$0x1C200] =	vst v63  }
0x1b6: {  	_ = 	snop  }
0x1b7: {  	[tilespmem:s11], [sflag:$0x1] =	stream.indirect_vreg.gather [hbm4b:s5+s3], $0x80, v3, vm0, $0xb8;
	[tilespmem:$0x1C200] =	vst v63  }
0x1b8: {  	_ = 	snop  }
0x1b9: {  	[tilespmem:s23], [sflag:$0x1] =	stream.indirect_vreg.gather [hbm4b:s6+s3], $0x80, v3, vm0, $0xb8;
	[tilespmem:$0x1C200] =	vst v63  }
0x1ba: {  	s22 =	simm.s32 $0xDA00  }
0x1bb: {  	[tilespmem:s22], [sflag:$0x1] =	stream.indirect_vreg.gather [hbm4b:s7+s3], $0x80, v3, vm0, $0xb8;
	[tilespmem:$0x1C200] =	vst v63  }
0x1bc: {  	_ =	swait.ge [sflag:s20], $0xE000  }
0x1bd: {  	[sflag:s20] =	ssyncset.done $0x0  }
0x1be: {  	s23 =	rddreg [dreg:$0x7];
	[sflag:s20] =	ssyncadd.s32 $0xFFFF2000  }
0x1bf: {  	[hbm4b:s23+s3] =	stream.linear.scatter [tilespmem:s9], [sflag:$0x4], $0xE000, $0x38;
	[tilespmem:$0x1C200] =	vst v63  }
0x1c0: {  	_ =	swait.ge [sflag:s21], $0xE000  }
0x1c1: {  	[sflag:s21] =	ssyncset.done $0x0  }
0x1c2: {  	[sflag:s21] =	ssyncadd.s32 $0xFFFF2000  }
0x1c3: {  	v3 =	vld [tilespmem:$0x118];
	_ =	sdelay $0x4  }
0x1c4: {  	v47 =	vshll.u32 v3, $0x3  }
0x1c5: {  	v3 =	vand.u32 $0x7, v3;
	v4 =	vand.u32 $0xFFFFFFC0, v47  }
0x1c6: {  	v3 =	vor.u32 v3, v4  }
0x1c7: {  	v4 =	vperm.xlane v3, v0;
	_ =	sdelay $0x1  }
0x1c8: {  	v4 =	vadd.s32 v1, v4;
	_ =	sdelay $0x4  }
0x1c9: {  	[tilespmem:s9], [sflag:$0x2] =	stream.indirect_vreg.gather [hbm4b:s2+s3], $0x80, v4, vm0, $0xb8;
	[tilespmem:$0x1C200] =	vst v63  }
0x1ca: {  	s24 =	simm.s32 $0xEA00;
	v3 =	vperm.xlane v3, v2  }
0x1cb: {  	[tilespmem:s24], [sflag:$0x2] =	stream.indirect_vreg.gather [hbm4b:s5+s3], $0x80, v4, vm0, $0xb8;
	[tilespmem:$0x1C200] =	vst v63  }
0x1cc: {  	s25 =	simm.s32 $0xF200;
	v3 =	vadd.s32 v1, v3  }
0x1cd: {  	[tilespmem:s25], [sflag:$0x2] =	stream.indirect_vreg.gather [hbm4b:s6+s3], $0x80, v4, vm0, $0xb8;
	[tilespmem:$0x1C200] =	vst v63  }
0x1ce: {  	s26 =	simm.s32 $0xFA00  }
0x1cf: {  	[tilespmem:s26], [sflag:$0x2] =	stream.indirect_vreg.gather [hbm4b:s7+s3], $0x80, v4, vm0, $0xb8;
	[tilespmem:$0x1C200] =	vst v63  }
0x1d0: {  	_ = 	snop  }
0x1d1: {  	[tilespmem:s1], [sflag:$0x2] =	stream.indirect_vreg.gather [hbm4b:s2+s3], $0x80, v3, vm0, $0xb8;
	[tilespmem:$0x1C200] =	vst v63  }
0x1d2: {  	s28 =	simm.s32 $0x10A00  }
0x1d3: {  	[tilespmem:s28], [sflag:$0x2] =	stream.indirect_vreg.gather [hbm4b:s5+s3], $0x80, v3, vm0, $0xb8;
	[tilespmem:$0x1C200] =	vst v63  }
0x1d4: {  	s29 =	simm.s32 $0x11200  }
0x1d5: {  	[tilespmem:s29], [sflag:$0x2] =	stream.indirect_vreg.gather [hbm4b:s6+s3], $0x80, v3, vm0, $0xb8;
	[tilespmem:$0x1C200] =	vst v63  }
0x1d6: {  	s30 =	simm.s32 $0x11A00  }
0x1d7: {  	[tilespmem:s30], [sflag:$0x2] =	stream.indirect_vreg.gather [hbm4b:s7+s3], $0x80, v3, vm0, $0xb8;
	[tilespmem:$0x1C200] =	vst v63  }
0x1d8: {  	v3 =	vld [tilespmem:$0x128];
	_ =	sdelay $0x4  }
0x1d9: {  	v48 =	vshll.u32 v3, $0x3  }
0x1da: {  	v3 =	vand.u32 $0x7, v3;
	v4 =	vand.u32 $0xFFFFFFC0, v48  }
0x1db: {  	v3 =	vor.u32 v3, v4  }
0x1dc: {  	v4 =	vperm.xlane v3, v0;
	_ =	sdelay $0x1  }
0x1dd: {  	v4 =	vadd.s32 v1, v4;
	_ =	sdelay $0x3  }
0x1de: {  	s31 =	simm.s32 $0x12200  }
0x1df: {  	[tilespmem:s31], [sflag:$0x2] =	stream.indirect_vreg.gather [hbm4b:s2+s3], $0x80, v4, vm0, $0xb8;
	[tilespmem:$0x1C200] =	vst v63  }
0x1e0: {  	s0 =	simm.s32 $0x12A00;
	v3 =	vperm.xlane v3, v2  }
0x1e1: {  	[tilespmem:s0], [sflag:$0x2] =	stream.indirect_vreg.gather [hbm4b:s5+s3], $0x80, v4, vm0, $0xb8;
	[tilespmem:$0x1C200] =	vst v63  }
0x1e2: {  	s4 =	simm.s32 $0x13200;
	v3 =	vadd.s32 v1, v3  }
0x1e3: {  	[tilespmem:s4], [sflag:$0x2] =	stream.indirect_vreg.gather [hbm4b:s6+s3], $0x80, v4, vm0, $0xb8;
	[tilespmem:$0x1C200] =	vst v63  }
0x1e4: {  	s10 =	simm.s32 $0x13A00  }
0x1e5: {  	[tilespmem:s10], [sflag:$0x2] =	stream.indirect_vreg.gather [hbm4b:s7+s3], $0x80, v4, vm0, $0xb8;
	[tilespmem:$0x1C200] =	vst v63  }
0x1e6: {  	s11 =	simm.s32 $0x14200  }
0x1e7: {  	[tilespmem:s11], [sflag:$0x2] =	stream.indirect_vreg.gather [hbm4b:s2+s3], $0x80, v3, vm0, $0xb8;
	[tilespmem:$0x1C200] =	vst v63  }
0x1e8: {  	s12 =	simm.s32 $0x14A00  }
0x1e9: {  	[tilespmem:s12], [sflag:$0x2] =	stream.indirect_vreg.gather [hbm4b:s5+s3], $0x80, v3, vm0, $0xb8;
	[tilespmem:$0x1C200] =	vst v63  }
0x1ea: {  	s13 =	simm.s32 $0x15200  }
0x1eb: {  	[tilespmem:s13], [sflag:$0x2] =	stream.indirect_vreg.gather [hbm4b:s6+s3], $0x80, v3, vm0, $0xb8;
	[tilespmem:$0x1C200] =	vst v63  }
0x1ec: {  	s14 =	simm.s32 $0x15A00  }
0x1ed: {  	[tilespmem:s14], [sflag:$0x2] =	stream.indirect_vreg.gather [hbm4b:s7+s3], $0x80, v3, vm0, $0xb8;
	[tilespmem:$0x1C200] =	vst v63  }
0x1ee: {  	v3 =	vld [tilespmem:$0x138];
	_ =	sdelay $0x4  }
0x1ef: {  	v49 =	vshll.u32 v3, $0x3  }
0x1f0: {  	v3 =	vand.u32 $0x7, v3;
	v4 =	vand.u32 $0xFFFFFFC0, v49  }
0x1f1: {  	v3 =	vor.u32 v3, v4  }
0x1f2: {  	v4 =	vperm.xlane v3, v0;
	_ =	sdelay $0x1  }
0x1f3: {  	v4 =	vadd.s32 v1, v4;
	_ =	sdelay $0x3  }
0x1f4: {  	s16 =	simm.s32 $0x16200  }
0x1f5: {  	[tilespmem:s16], [sflag:$0x2] =	stream.indirect_vreg.gather [hbm4b:s2+s3], $0x80, v4, vm0, $0xb8;
	[tilespmem:$0x1C200] =	vst v63  }
0x1f6: {  	s17 =	simm.s32 $0x16A00;
	v3 =	vperm.xlane v3, v2  }
0x1f7: {  	[tilespmem:s17], [sflag:$0x2] =	stream.indirect_vreg.gather [hbm4b:s5+s3], $0x80, v4, vm0, $0xb8;
	[tilespmem:$0x1C200] =	vst v63  }
0x1f8: {  	s22 =	simm.s32 $0x17200;
	v3 =	vadd.s32 v1, v3  }
0x1f9: {  	[tilespmem:s22], [sflag:$0x2] =	stream.indirect_vreg.gather [hbm4b:s6+s3], $0x80, v4, vm0, $0xb8;
	[tilespmem:$0x1C200] =	vst v63  }
0x1fa: {  	s23 =	simm.s32 $0x17A00  }
0x1fb: {  	[tilespmem:s23], [sflag:$0x2] =	stream.indirect_vreg.gather [hbm4b:s7+s3], $0x80, v4, vm0, $0xb8;
	[tilespmem:$0x1C200] =	vst v63  }
0x1fc: {  	s24 =	simm.s32 $0x18200  }
0x1fd: {  	[tilespmem:s24], [sflag:$0x2] =	stream.indirect_vreg.gather [hbm4b:s2+s3], $0x80, v3, vm0, $0xb8;
	[tilespmem:$0x1C200] =	vst v63  }
0x1fe: {  	s25 =	simm.s32 $0x18A00  }
0x1ff: {  	[tilespmem:s25], [sflag:$0x2] =	stream.indirect_vreg.gather [hbm4b:s5+s3], $0x80, v3, vm0, $0xb8;
	[tilespmem:$0x1C200] =	vst v63  }
0x200: {  	s26 =	simm.s32 $0x19200  }
0x201: {  	[tilespmem:s26], [sflag:$0x2] =	stream.indirect_vreg.gather [hbm4b:s6+s3], $0x80, v3, vm0, $0xb8;
	[tilespmem:$0x1C200] =	vst v63  }
0x202: {  	s28 =	simm.s32 $0x19A00  }
0x203: {  	[tilespmem:s28], [sflag:$0x2] =	stream.indirect_vreg.gather [hbm4b:s7+s3], $0x80, v3, vm0, $0xb8;
	[tilespmem:$0x1C200] =	vst v63  }
0x204: {  	v3 =	vld.msk [tilespmem:$0x148], $0xff;
	_ =	sdelay $0x4  }
0x205: {  	v50 =	vshll.u32 v3, $0x3  }
0x206: {  	v3 =	vand.u32 $0x7, v3;
	v4 =	vand.u32 $0xFFFFFFC0, v50  }
0x207: {  	v3 =	vor.u32 v3, v4  }
0x208: {  	v3 =	vperm.xlane v3, v0;
	_ =	sdelay $0x1  }
0x209: {  	v3 =	vadd.s32 v1, v3;
	_ =	sdelay $0x3  }
0x20a: {  	s0 =	simm.s32 $0x1A200  }
0x20b: {  	[tilespmem:s0], [sflag:$0x2] =	stream.indirect_vreg.gather [hbm4b:s2+s3], $0x80, v3, vm0, $0xb8;
	[tilespmem:$0x1C200] =	vst v63  }
0x20c: {  	s4 =	simm.s32 $0x1AA00  }
0x20d: {  	[tilespmem:s4], [sflag:$0x2] =	stream.indirect_vreg.gather [hbm4b:s5+s3], $0x80, v3, vm0, $0xb8;
	[tilespmem:$0x1C200] =	vst v63  }
0x20e: {  	s10 =	simm.s32 $0x1B200  }
0x20f: {  	[tilespmem:s10], [sflag:$0x2] =	stream.indirect_vreg.gather [hbm4b:s6+s3], $0x80, v3, vm0, $0xb8;
	[tilespmem:$0x1C200] =	vst v63  }
0x210: {  	s11 =	simm.s32 $0x1BA00  }
0x211: {  	[tilespmem:s11], [sflag:$0x2] =	stream.indirect_vreg.gather [hbm4b:s7+s3], $0x80, v3, vm0, $0xb8;
	[tilespmem:$0x1C200] =	vst v63  }
0x212: {  	_ =	swait.ge [sflag:s18], $0xE000  }
0x213: {  	[sflag:s18] =	ssyncset.done $0x0  }
0x214: {  	s13 =	simm.s32 $0x200;
	s12 =	rddreg [dreg:$0x8];
	[sflag:s18] =	ssyncadd.s32 $0xFFFF2000  }
0x215: {  	[hbm4b:s12+s3] =	stream.linear.scatter [tilespmem:s13], [sflag:$0x3], $0xE000, $0x38;
	[tilespmem:$0x1C200] =	vst v63  }
0x216: {  	_ =	swait.ge [sflag:s19], $0xE000  }
0x217: {  	[sflag:s19] =	ssyncset.done $0x0  }
0x218: {  	[sflag:s19] =	ssyncadd.s32 $0xFFFF2000  }
0x219: {  	v3 =	vld [tilespmem:$0x150];
	_ =	sdelay $0x4  }
0x21a: {  	v51 =	vshll.u32 v3, $0x3  }
0x21b: {  	v3 =	vand.u32 $0x7, v3;
	v4 =	vand.u32 $0xFFFFFFC0, v51  }
0x21c: {  	v3 =	vor.u32 v3, v4  }
0x21d: {  	v4 =	vperm.xlane v3, v0;
	_ =	sdelay $0x1  }
0x21e: {  	v4 =	vadd.s32 v1, v4;
	_ =	sdelay $0x4  }
0x21f: {  	[tilespmem:s13], [sflag:$0x1] =	stream.indirect_vreg.gather [hbm4b:s2+s3], $0x80, v4, vm0, $0xb8;
	[tilespmem:$0x1C200] =	vst v63  }
0x220: {  	s14 =	simm.s32 $0xA00;
	v3 =	vperm.xlane v3, v2  }
0x221: {  	[tilespmem:s14], [sflag:$0x1] =	stream.indirect_vreg.gather [hbm4b:s5+s3], $0x80, v4, vm0, $0xb8;
	[tilespmem:$0x1C200] =	vst v63  }
0x222: {  	s17 =	simm.s32 $0x1200;
	v3 =	vadd.s32 v1, v3  }
0x223: {  	[tilespmem:s17], [sflag:$0x1] =	stream.indirect_vreg.gather [hbm4b:s6+s3], $0x80, v4, vm0, $0xb8;
	[tilespmem:$0x1C200] =	vst v63  }
0x224: {  	s4 =	simm.s32 $0x1A00  }
0x225: {  	[tilespmem:s4], [sflag:$0x1] =	stream.indirect_vreg.gather [hbm4b:s7+s3], $0x80, v4, vm0, $0xb8;
	[tilespmem:$0x1C200] =	vst v63  }
0x226: {  	s10 =	simm.s32 $0x2200  }
0x227: {  	[tilespmem:s10], [sflag:$0x1] =	stream.indirect_vreg.gather [hbm4b:s2+s3], $0x80, v3, vm0, $0xb8;
	[tilespmem:$0x1C200] =	vst v63  }
0x228: {  	s11 =	simm.s32 $0x2A00  }
0x229: {  	[tilespmem:s11], [sflag:$0x1] =	stream.indirect_vreg.gather [hbm4b:s5+s3], $0x80, v3, vm0, $0xb8;
	[tilespmem:$0x1C200] =	vst v63  }
0x22a: {  	s12 =	simm.s32 $0x3200  }
0x22b: {  	[tilespmem:s12], [sflag:$0x1] =	stream.indirect_vreg.gather [hbm4b:s6+s3], $0x80, v3, vm0, $0xb8;
	[tilespmem:$0x1C200] =	vst v63  }
0x22c: {  	s15 =	simm.s32 $0x3A00  }
0x22d: {  	[tilespmem:s15], [sflag:$0x1] =	stream.indirect_vreg.gather [hbm4b:s7+s3], $0x80, v3, vm0, $0xb8;
	[tilespmem:$0x1C200] =	vst v63  }
0x22e: {  	v3 =	vld [tilespmem:$0x160];
	_ =	sdelay $0x4  }
0x22f: {  	v52 =	vshll.u32 v3, $0x3  }
0x230: {  	v3 =	vand.u32 $0x7, v3;
	v4 =	vand.u32 $0xFFFFFFC0, v52  }
0x231: {  	v3 =	vor.u32 v3, v4  }
0x232: {  	v4 =	vperm.xlane v3, v0;
	_ =	sdelay $0x1  }
0x233: {  	v4 =	vadd.s32 v1, v4;
	_ =	sdelay $0x3  }
0x234: {  	s16 =	simm.s32 $0x4200  }
0x235: {  	[tilespmem:s16], [sflag:$0x1] =	stream.indirect_vreg.gather [hbm4b:s2+s3], $0x80, v4, vm0, $0xb8;
	[tilespmem:$0x1C200] =	vst v63  }
0x236: {  	s22 =	simm.s32 $0x4A00;
	v3 =	vperm.xlane v3, v2  }
0x237: {  	[tilespmem:s22], [sflag:$0x1] =	stream.indirect_vreg.gather [hbm4b:s5+s3], $0x80, v4, vm0, $0xb8;
	[tilespmem:$0x1C200] =	vst v63  }
0x238: {  	s13 =	simm.s32 $0x5200;
	v3 =	vadd.s32 v1, v3  }
0x239: {  	[tilespmem:s13], [sflag:$0x1] =	stream.indirect_vreg.gather [hbm4b:s6+s3], $0x80, v4, vm0, $0xb8;
	[tilespmem:$0x1C200] =	vst v63  }
0x23a: {  	s14 =	simm.s32 $0x5A00  }
0x23b: {  	[tilespmem:s14], [sflag:$0x1] =	stream.indirect_vreg.gather [hbm4b:s7+s3], $0x80, v4, vm0, $0xb8;
	[tilespmem:$0x1C200] =	vst v63  }
0x23c: {  	s15 =	simm.s32 $0x6200  }
0x23d: {  	[tilespmem:s15], [sflag:$0x1] =	stream.indirect_vreg.gather [hbm4b:s2+s3], $0x80, v3, vm0, $0xb8;
	[tilespmem:$0x1C200] =	vst v63  }
0x23e: {  	s16 =	simm.s32 $0x6A00  }
0x23f: {  	[tilespmem:s16], [sflag:$0x1] =	stream.indirect_vreg.gather [hbm4b:s5+s3], $0x80, v3, vm0, $0xb8;
	[tilespmem:$0x1C200] =	vst v63  }
0x240: {  	s23 =	simm.s32 $0x7200  }
0x241: {  	[tilespmem:s23], [sflag:$0x1] =	stream.indirect_vreg.gather [hbm4b:s6+s3], $0x80, v3, vm0, $0xb8;
	[tilespmem:$0x1C200] =	vst v63  }
0x242: {  	s24 =	simm.s32 $0x7A00  }
0x243: {  	[tilespmem:s24], [sflag:$0x1] =	stream.indirect_vreg.gather [hbm4b:s7+s3], $0x80, v3, vm0, $0xb8;
	[tilespmem:$0x1C200] =	vst v63  }
0x244: {  	v3 =	vld [tilespmem:$0x170];
	_ =	sdelay $0x4  }
0x245: {  	v53 =	vshll.u32 v3, $0x3  }
0x246: {  	v3 =	vand.u32 $0x7, v3;
	v4 =	vand.u32 $0xFFFFFFC0, v53  }
0x247: {  	v3 =	vor.u32 v3, v4  }
0x248: {  	v4 =	vperm.xlane v3, v0;
	_ =	sdelay $0x1  }
0x249: {  	v4 =	vadd.s32 v1, v4;
	_ =	sdelay $0x3  }
0x24a: {  	s22 =	simm.s32 $0x8200  }
0x24b: {  	[tilespmem:s22], [sflag:$0x1] =	stream.indirect_vreg.gather [hbm4b:s2+s3], $0x80, v4, vm0, $0xb8;
	[tilespmem:$0x1C200] =	vst v63  }
0x24c: {  	s23 =	simm.s32 $0x8A00;
	v3 =	vperm.xlane v3, v2  }
0x24d: {  	[tilespmem:s23], [sflag:$0x1] =	stream.indirect_vreg.gather [hbm4b:s5+s3], $0x80, v4, vm0, $0xb8;
	[tilespmem:$0x1C200] =	vst v63  }
0x24e: {  	s24 =	simm.s32 $0x9200;
	v3 =	vadd.s32 v1, v3  }
0x24f: {  	[tilespmem:s24], [sflag:$0x1] =	stream.indirect_vreg.gather [hbm4b:s6+s3], $0x80, v4, vm0, $0xb8;
	[tilespmem:$0x1C200] =	vst v63  }
0x250: {  	s22 =	simm.s32 $0x9A00  }
0x251: {  	[tilespmem:s22], [sflag:$0x1] =	stream.indirect_vreg.gather [hbm4b:s7+s3], $0x80, v4, vm0, $0xb8;
	[tilespmem:$0x1C200] =	vst v63  }
0x252: {  	s23 =	simm.s32 $0xA200  }
0x253: {  	[tilespmem:s23], [sflag:$0x1] =	stream.indirect_vreg.gather [hbm4b:s2+s3], $0x80, v3, vm0, $0xb8;
	[tilespmem:$0x1C200] =	vst v63  }
0x254: {  	s24 =	simm.s32 $0xAA00  }
0x255: {  	[tilespmem:s24], [sflag:$0x1] =	stream.indirect_vreg.gather [hbm4b:s5+s3], $0x80, v3, vm0, $0xb8;
	[tilespmem:$0x1C200] =	vst v63  }
0x256: {  	s22 =	simm.s32 $0xB200  }
0x257: {  	[tilespmem:s22], [sflag:$0x1] =	stream.indirect_vreg.gather [hbm4b:s6+s3], $0x80, v3, vm0, $0xb8;
	[tilespmem:$0x1C200] =	vst v63  }
0x258: {  	s23 =	simm.s32 $0xBA00  }
0x259: {  	[tilespmem:s23], [sflag:$0x1] =	stream.indirect_vreg.gather [hbm4b:s7+s3], $0x80, v3, vm0, $0xb8;
	[tilespmem:$0x1C200] =	vst v63  }
0x25a: {  	v3 =	vld.msk [tilespmem:$0x180], $0xff;
	_ =	sdelay $0x4  }
0x25b: {  	v54 =	vshll.u32 v3, $0x3  }
0x25c: {  	v3 =	vand.u32 $0x7, v3;
	v4 =	vand.u32 $0xFFFFFFC0, v54  }
0x25d: {  	v3 =	vor.u32 v3, v4  }
0x25e: {  	v3 =	vperm.xlane v3, v0;
	_ =	sdelay $0x1  }
0x25f: {  	v3 =	vadd.s32 v1, v3;
	_ =	sdelay $0x3  }
0x260: {  	s24 =	simm.s32 $0xC200  }
0x261: {  	[tilespmem:s24], [sflag:$0x1] =	stream.indirect_vreg.gather [hbm4b:s2+s3], $0x80, v3, vm0, $0xb8;
	[tilespmem:$0x1C200] =	vst v63  }
0x262: {  	s22 =	simm.s32 $0xCA00  }
0x263: {  	[tilespmem:s22], [sflag:$0x1] =	stream.indirect_vreg.gather [hbm4b:s5+s3], $0x80, v3, vm0, $0xb8;
	[tilespmem:$0x1C200] =	vst v63  }
0x264: {  	s23 =	simm.s32 $0xD200  }
0x265: {  	[tilespmem:s23], [sflag:$0x1] =	stream.indirect_vreg.gather [hbm4b:s6+s3], $0x80, v3, vm0, $0xb8;
	[tilespmem:$0x1C200] =	vst v63  }
0x266: {  	s24 =	simm.s32 $0xDA00  }
0x267: {  	[tilespmem:s24], [sflag:$0x1] =	stream.indirect_vreg.gather [hbm4b:s7+s3], $0x80, v3, vm0, $0xb8;
	[tilespmem:$0x1C200] =	vst v63  }
0x268: {  	_ =	swait.ge [sflag:s20], $0xE000  }
0x269: {  	[sflag:s20] =	ssyncset.done $0x0  }
0x26a: {  	s0 =	rddreg [dreg:$0x9];
	[sflag:s20] =	ssyncadd.s32 $0xFFFF2000  }
0x26b: {  	[hbm4b:s0+s3] =	stream.linear.scatter [tilespmem:s9], [sflag:$0x4], $0xE000, $0x38;
	[tilespmem:$0x1C200] =	vst v63  }
0x26c: {  	_ =	swait.ge [sflag:s21], $0xE000  }
0x26d: {  	[sflag:s21] =	ssyncset.done $0x0  }
0x26e: {  	[sflag:s21] =	ssyncadd.s32 $0xFFFF2000  }
0x26f: {  	v3 =	vld [tilespmem:$0x188];
	_ =	sdelay $0x4  }
0x270: {  	v55 =	vshll.u32 v3, $0x3  }
0x271: {  	v3 =	vand.u32 $0x7, v3;
	v4 =	vand.u32 $0xFFFFFFC0, v55  }
0x272: {  	v3 =	vor.u32 v3, v4  }
0x273: {  	v4 =	vperm.xlane v3, v0;
	_ =	sdelay $0x1  }
0x274: {  	v4 =	vadd.s32 v1, v4;
	_ =	sdelay $0x4  }
0x275: {  	[tilespmem:s9], [sflag:$0x2] =	stream.indirect_vreg.gather [hbm4b:s2+s3], $0x80, v4, vm0, $0xb8;
	[tilespmem:$0x1C200] =	vst v63  }
0x276: {  	s22 =	simm.s32 $0xEA00;
	v3 =	vperm.xlane v3, v2  }
0x277: {  	[tilespmem:s22], [sflag:$0x2] =	stream.indirect_vreg.gather [hbm4b:s5+s3], $0x80, v4, vm0, $0xb8;
	[tilespmem:$0x1C200] =	vst v63  }
0x278: {  	s23 =	simm.s32 $0xF200;
	v3 =	vadd.s32 v1, v3  }
0x279: {  	[tilespmem:s23], [sflag:$0x2] =	stream.indirect_vreg.gather [hbm4b:s6+s3], $0x80, v4, vm0, $0xb8;
	[tilespmem:$0x1C200] =	vst v63  }
0x27a: {  	s0 =	simm.s32 $0xFA00  }
0x27b: {  	[tilespmem:s0], [sflag:$0x2] =	stream.indirect_vreg.gather [hbm4b:s7+s3], $0x80, v4, vm0, $0xb8;
	[tilespmem:$0x1C200] =	vst v63  }
0x27c: {  	s22 =	simm.s32 $0x10200  }
0x27d: {  	[tilespmem:s22], [sflag:$0x2] =	stream.indirect_vreg.gather [hbm4b:s2+s3], $0x80, v3, vm0, $0xb8;
	[tilespmem:$0x1C200] =	vst v63  }
0x27e: {  	s1 =	simm.s32 $0x10A00  }
0x27f: {  	[tilespmem:s1], [sflag:$0x2] =	stream.indirect_vreg.gather [hbm4b:s5+s3], $0x80, v3, vm0, $0xb8;
	[tilespmem:$0x1C200] =	vst v63  }
0x280: {  	s22 =	simm.s32 $0x11200  }
0x281: {  	[tilespmem:s22], [sflag:$0x2] =	stream.indirect_vreg.gather [hbm4b:s6+s3], $0x80, v3, vm0, $0xb8;
	[tilespmem:$0x1C200] =	vst v63  }
0x282: {  	s29 =	simm.s32 $0x11A00  }
0x283: {  	[tilespmem:s29], [sflag:$0x2] =	stream.indirect_vreg.gather [hbm4b:s7+s3], $0x80, v3, vm0, $0xb8;
	[tilespmem:$0x1C200] =	vst v63  }
0x284: {  	v3 =	vld [tilespmem:$0x198];
	_ =	sdelay $0x4  }
0x285: {  	v56 =	vshll.u32 v3, $0x3  }
0x286: {  	v3 =	vand.u32 $0x7, v3;
	v4 =	vand.u32 $0xFFFFFFC0, v56  }
0x287: {  	v3 =	vor.u32 v3, v4  }
0x288: {  	v4 =	vperm.xlane v3, v0;
	_ =	sdelay $0x1  }
0x289: {  	v4 =	vadd.s32 v1, v4;
	_ =	sdelay $0x3  }
0x28a: {  	s30 =	simm.s32 $0x12200  }
0x28b: {  	[tilespmem:s30], [sflag:$0x2] =	stream.indirect_vreg.gather [hbm4b:s2+s3], $0x80, v4, vm0, $0xb8;
	[tilespmem:$0x1C200] =	vst v63  }
0x28c: {  	s31 =	simm.s32 $0x12A00;
	v3 =	vperm.xlane v3, v2  }
0x28d: {  	[tilespmem:s31], [sflag:$0x2] =	stream.indirect_vreg.gather [hbm4b:s5+s3], $0x80, v4, vm0, $0xb8;
	[tilespmem:$0x1C200] =	vst v63  }
0x28e: {  	v3 =	vadd.s32 v1, v3;
	s31 =	simm.s32 $0x13200  }
0x28f: {  	[tilespmem:s31], [sflag:$0x2] =	stream.indirect_vreg.gather [hbm4b:s6+s3], $0x80, v4, vm0, $0xb8;
	[tilespmem:$0x1C200] =	vst v63  }
0x290: {  	s22 =	simm.s32 $0x13A00  }
0x291: {  	[tilespmem:s22], [sflag:$0x2] =	stream.indirect_vreg.gather [hbm4b:s7+s3], $0x80, v4, vm0, $0xb8;
	[tilespmem:$0x1C200] =	vst v63  }
0x292: {  	s29 =	simm.s32 $0x14200  }
0x293: {  	[tilespmem:s29], [sflag:$0x2] =	stream.indirect_vreg.gather [hbm4b:s2+s3], $0x80, v3, vm0, $0xb8;
	[tilespmem:$0x1C200] =	vst v63  }
0x294: {  	s30 =	simm.s32 $0x14A00  }
0x295: {  	[tilespmem:s30], [sflag:$0x2] =	stream.indirect_vreg.gather [hbm4b:s5+s3], $0x80, v3, vm0, $0xb8;
	[tilespmem:$0x1C200] =	vst v63  }
0x296: {  	s31 =	simm.s32 $0x15200  }
0x297: {  	[tilespmem:s31], [sflag:$0x2] =	stream.indirect_vreg.gather [hbm4b:s6+s3], $0x80, v3, vm0, $0xb8;
	[tilespmem:$0x1C200] =	vst v63  }
0x298: {  	s22 =	simm.s32 $0x15A00  }
0x299: {  	[tilespmem:s22], [sflag:$0x2] =	stream.indirect_vreg.gather [hbm4b:s7+s3], $0x80, v3, vm0, $0xb8;
	[tilespmem:$0x1C200] =	vst v63  }
0x29a: {  	v3 =	vld [tilespmem:$0x1A8];
	_ =	sdelay $0x4  }
0x29b: {  	v57 =	vshll.u32 v3, $0x3  }
0x29c: {  	v3 =	vand.u32 $0x7, v3;
	v4 =	vand.u32 $0xFFFFFFC0, v57  }
0x29d: {  	v3 =	vor.u32 v3, v4  }
0x29e: {  	v4 =	vperm.xlane v3, v0;
	_ =	sdelay $0x1  }
0x29f: {  	v4 =	vadd.s32 v1, v4;
	_ =	sdelay $0x3  }
0x2a0: {  	s29 =	simm.s32 $0x16200  }
0x2a1: {  	[tilespmem:s29], [sflag:$0x2] =	stream.indirect_vreg.gather [hbm4b:s2+s3], $0x80, v4, vm0, $0xb8;
	[tilespmem:$0x1C200] =	vst v63  }
0x2a2: {  	s30 =	simm.s32 $0x16A00;
	v3 =	vperm.xlane v3, v2  }
0x2a3: {  	[tilespmem:s30], [sflag:$0x2] =	stream.indirect_vreg.gather [hbm4b:s5+s3], $0x80, v4, vm0, $0xb8;
	[tilespmem:$0x1C200] =	vst v63  }
0x2a4: {  	s31 =	simm.s32 $0x17200;
	v3 =	vadd.s32 v1, v3  }
0x2a5: {  	[tilespmem:s31], [sflag:$0x2] =	stream.indirect_vreg.gather [hbm4b:s6+s3], $0x80, v4, vm0, $0xb8;
	[tilespmem:$0x1C200] =	vst v63  }
0x2a6: {  	s22 =	simm.s32 $0x17A00  }
0x2a7: {  	[tilespmem:s22], [sflag:$0x2] =	stream.indirect_vreg.gather [hbm4b:s7+s3], $0x80, v4, vm0, $0xb8;
	[tilespmem:$0x1C200] =	vst v63  }
0x2a8: {  	s29 =	simm.s32 $0x18200  }
0x2a9: {  	[tilespmem:s29], [sflag:$0x2] =	stream.indirect_vreg.gather [hbm4b:s2+s3], $0x80, v3, vm0, $0xb8;
	[tilespmem:$0x1C200] =	vst v63  }
0x2aa: {  	s30 =	simm.s32 $0x18A00  }
0x2ab: {  	[tilespmem:s30], [sflag:$0x2] =	stream.indirect_vreg.gather [hbm4b:s5+s3], $0x80, v3, vm0, $0xb8;
	[tilespmem:$0x1C200] =	vst v63  }
0x2ac: {  	s31 =	simm.s32 $0x19200  }
0x2ad: {  	[tilespmem:s31], [sflag:$0x2] =	stream.indirect_vreg.gather [hbm4b:s6+s3], $0x80, v3, vm0, $0xb8;
	[tilespmem:$0x1C200] =	vst v63  }
0x2ae: {  	s22 =	simm.s32 $0x19A00  }
0x2af: {  	[tilespmem:s22], [sflag:$0x2] =	stream.indirect_vreg.gather [hbm4b:s7+s3], $0x80, v3, vm0, $0xb8;
	[tilespmem:$0x1C200] =	vst v63  }
0x2b0: {  	v3 =	vld.msk [tilespmem:$0x1B8], $0xff;
	_ =	sdelay $0x4  }
0x2b1: {  	v58 =	vshll.u32 v3, $0x3  }
0x2b2: {  	v3 =	vand.u32 $0x7, v3;
	v4 =	vand.u32 $0xFFFFFFC0, v58  }
0x2b3: {  	v3 =	vor.u32 v3, v4  }
0x2b4: {  	v3 =	vperm.xlane v3, v0;
	_ =	sdelay $0x1  }
0x2b5: {  	v3 =	vadd.s32 v1, v3;
	_ =	sdelay $0x3  }
0x2b6: {  	s25 =	simm.s32 $0x1A200  }
0x2b7: {  	[tilespmem:s25], [sflag:$0x2] =	stream.indirect_vreg.gather [hbm4b:s2+s3], $0x80, v3, vm0, $0xb8;
	[tilespmem:$0x1C200] =	vst v63  }
0x2b8: {  	s26 =	simm.s32 $0x1AA00  }
0x2b9: {  	[tilespmem:s26], [sflag:$0x2] =	stream.indirect_vreg.gather [hbm4b:s5+s3], $0x80, v3, vm0, $0xb8;
	[tilespmem:$0x1C200] =	vst v63  }
0x2ba: {  	s28 =	simm.s32 $0x1B200  }
0x2bb: {  	[tilespmem:s28], [sflag:$0x2] =	stream.indirect_vreg.gather [hbm4b:s6+s3], $0x80, v3, vm0, $0xb8;
	[tilespmem:$0x1C200] =	vst v63  }
0x2bc: {  	s29 =	simm.s32 $0x1BA00  }
0x2bd: {  	[tilespmem:s29], [sflag:$0x2] =	stream.indirect_vreg.gather [hbm4b:s7+s3], $0x80, v3, vm0, $0xb8;
	[tilespmem:$0x1C200] =	vst v63  }
0x2be: {  	_ =	swait.ge [sflag:s18], $0xE000  }
0x2bf: {  	[sflag:s18] =	ssyncset.done $0x0  }
0x2c0: {  	s31 =	simm.s32 $0x200;
	s30 =	rddreg [dreg:$0xa];
	[sflag:s18] =	ssyncadd.s32 $0xFFFF2000  }
0x2c1: {  	[hbm4b:s30+s3] =	stream.linear.scatter [tilespmem:s31], [sflag:$0x3], $0xE000, $0x38;
	[tilespmem:$0x1C200] =	vst v63  }
0x2c2: {  	_ =	swait.ge [sflag:s19], $0xE000  }
0x2c3: {  	[sflag:s19] =	ssyncset.done $0x0  }
0x2c4: {  	[sflag:s19] =	ssyncadd.s32 $0xFFFF2000  }
0x2c5: {  	v3 =	vld [tilespmem:$0x1C0];
	_ =	sdelay $0x4  }
0x2c6: {  	v59 =	vshll.u32 v3, $0x3  }
0x2c7: {  	v3 =	vand.u32 $0x7, v3;
	v4 =	vand.u32 $0xFFFFFFC0, v59  }
0x2c8: {  	v3 =	vor.u32 v3, v4  }
0x2c9: {  	v4 =	vperm.xlane v3, v0;
	_ =	sdelay $0x1  }
0x2ca: {  	v4 =	vadd.s32 v1, v4;
	_ =	sdelay $0x4  }
0x2cb: {  	[tilespmem:s31], [sflag:$0x1] =	stream.indirect_vreg.gather [hbm4b:s2+s3], $0x80, v4, vm0, $0xb8;
	[tilespmem:$0x1C200] =	vst v63  }
0x2cc: {  	s25 =	simm.s32 $0xA00;
	v3 =	vperm.xlane v3, v2  }
0x2cd: {  	[tilespmem:s25], [sflag:$0x1] =	stream.indirect_vreg.gather [hbm4b:s5+s3], $0x80, v4, vm0, $0xb8;
	[tilespmem:$0x1C200] =	vst v63  }
0x2ce: {  	v3 =	vadd.s32 v1, v3  }
0x2cf: {  	[tilespmem:s17], [sflag:$0x1] =	stream.indirect_vreg.gather [hbm4b:s6+s3], $0x80, v4, vm0, $0xb8;
	[tilespmem:$0x1C200] =	vst v63  }
0x2d0: {  	_ = 	snop  }
0x2d1: {  	[tilespmem:s4], [sflag:$0x1] =	stream.indirect_vreg.gather [hbm4b:s7+s3], $0x80, v4, vm0, $0xb8;
	[tilespmem:$0x1C200] =	vst v63  }
0x2d2: {  	_ = 	snop  }
0x2d3: {  	[tilespmem:s10], [sflag:$0x1] =	stream.indirect_vreg.gather [hbm4b:s2+s3], $0x80, v3, vm0, $0xb8;
	[tilespmem:$0x1C200] =	vst v63  }
0x2d4: {  	_ = 	snop  }
0x2d5: {  	[tilespmem:s11], [sflag:$0x1] =	stream.indirect_vreg.gather [hbm4b:s5+s3], $0x80, v3, vm0, $0xb8;
	[tilespmem:$0x1C200] =	vst v63  }
0x2d6: {  	_ = 	snop  }
0x2d7: {  	[tilespmem:s12], [sflag:$0x1] =	stream.indirect_vreg.gather [hbm4b:s6+s3], $0x80, v3, vm0, $0xb8;
	[tilespmem:$0x1C200] =	vst v63  }
0x2d8: {  	s26 =	simm.s32 $0x3A00  }
0x2d9: {  	[tilespmem:s26], [sflag:$0x1] =	stream.indirect_vreg.gather [hbm4b:s7+s3], $0x80, v3, vm0, $0xb8;
	[tilespmem:$0x1C200] =	vst v63  }
0x2da: {  	v3 =	vld [tilespmem:$0x1D0];
	_ =	sdelay $0x4  }
0x2db: {  	v60 =	vshll.u32 v3, $0x3  }
0x2dc: {  	v3 =	vand.u32 $0x7, v3;
	v4 =	vand.u32 $0xFFFFFFC0, v60  }
0x2dd: {  	v3 =	vor.u32 v3, v4  }
0x2de: {  	v4 =	vperm.xlane v3, v0;
	_ =	sdelay $0x1  }
0x2df: {  	v4 =	vadd.s32 v1, v4;
	_ =	sdelay $0x3  }
0x2e0: {  	s28 =	simm.s32 $0x4200  }
0x2e1: {  	[tilespmem:s28], [sflag:$0x1] =	stream.indirect_vreg.gather [hbm4b:s2+s3], $0x80, v4, vm0, $0xb8;
	[tilespmem:$0x1C200] =	vst v63  }
0x2e2: {  	s29 =	simm.s32 $0x4A00;
	v3 =	vperm.xlane v3, v2  }
0x2e3: {  	[tilespmem:s29], [sflag:$0x1] =	stream.indirect_vreg.gather [hbm4b:s5+s3], $0x80, v4, vm0, $0xb8;
	[tilespmem:$0x1C200] =	vst v63  }
0x2e4: {  	v3 =	vadd.s32 v1, v3  }
0x2e5: {  	[tilespmem:s13], [sflag:$0x1] =	stream.indirect_vreg.gather [hbm4b:s6+s3], $0x80, v4, vm0, $0xb8;
	[tilespmem:$0x1C200] =	vst v63  }
0x2e6: {  	_ = 	snop  }
0x2e7: {  	[tilespmem:s14], [sflag:$0x1] =	stream.indirect_vreg.gather [hbm4b:s7+s3], $0x80, v4, vm0, $0xb8;
	[tilespmem:$0x1C200] =	vst v63  }
0x2e8: {  	_ = 	snop  }
0x2e9: {  	[tilespmem:s15], [sflag:$0x1] =	stream.indirect_vreg.gather [hbm4b:s2+s3], $0x80, v3, vm0, $0xb8;
	[tilespmem:$0x1C200] =	vst v63  }
0x2ea: {  	_ = 	snop  }
0x2eb: {  	[tilespmem:s16], [sflag:$0x1] =	stream.indirect_vreg.gather [hbm4b:s5+s3], $0x80, v3, vm0, $0xb8;
	[tilespmem:$0x1C200] =	vst v63  }
0x2ec: {  	s30 =	simm.s32 $0x7200  }
0x2ed: {  	[tilespmem:s30], [sflag:$0x1] =	stream.indirect_vreg.gather [hbm4b:s6+s3], $0x80, v3, vm0, $0xb8;
	[tilespmem:$0x1C200] =	vst v63  }
0x2ee: {  	s31 =	simm.s32 $0x7A00  }
0x2ef: {  	[tilespmem:s31], [sflag:$0x1] =	stream.indirect_vreg.gather [hbm4b:s7+s3], $0x80, v3, vm0, $0xb8;
	[tilespmem:$0x1C200] =	vst v63  }
0x2f0: {  	v3 =	vld [tilespmem:$0x1E0];
	_ =	sdelay $0x4  }
0x2f1: {  	v61 =	vshll.u32 v3, $0x3  }
0x2f2: {  	v3 =	vand.u32 $0x7, v3;
	v4 =	vand.u32 $0xFFFFFFC0, v61  }
0x2f3: {  	v3 =	vor.u32 v3, v4  }
0x2f4: {  	v4 =	vperm.xlane v3, v0;
	_ =	sdelay $0x1  }
0x2f5: {  	v4 =	vadd.s32 v1, v4;
	_ =	sdelay $0x3  }
0x2f6: {  	s10 =	simm.s32 $0x8200  }
0x2f7: {  	[tilespmem:s10], [sflag:$0x1] =	stream.indirect_vreg.gather [hbm4b:s2+s3], $0x80, v4, vm0, $0xb8;
	[tilespmem:$0x1C200] =	vst v63  }
0x2f8: {  	s11 =	simm.s32 $0x8A00;
	v3 =	vperm.xlane v3, v2  }
0x2f9: {  	[tilespmem:s11], [sflag:$0x1] =	stream.indirect_vreg.gather [hbm4b:s5+s3], $0x80, v4, vm0, $0xb8;
	[tilespmem:$0x1C200] =	vst v63  }
0x2fa: {  	s12 =	simm.s32 $0x9200;
	v3 =	vadd.s32 v1, v3  }
0x2fb: {  	[tilespmem:s12], [sflag:$0x1] =	stream.indirect_vreg.gather [hbm4b:s6+s3], $0x80, v4, vm0, $0xb8;
	[tilespmem:$0x1C200] =	vst v63  }
0x2fc: {  	s13 =	simm.s32 $0x9A00  }
0x2fd: {  	[tilespmem:s13], [sflag:$0x1] =	stream.indirect_vreg.gather [hbm4b:s7+s3], $0x80, v4, vm0, $0xb8;
	[tilespmem:$0x1C200] =	vst v63  }
0x2fe: {  	s14 =	simm.s32 $0xA200  }
0x2ff: {  	[tilespmem:s14], [sflag:$0x1] =	stream.indirect_vreg.gather [hbm4b:s2+s3], $0x80, v3, vm0, $0xb8;
	[tilespmem:$0x1C200] =	vst v63  }
0x300: {  	s15 =	simm.s32 $0xAA00  }
0x301: {  	[tilespmem:s15], [sflag:$0x1] =	stream.indirect_vreg.gather [hbm4b:s5+s3], $0x80, v3, vm0, $0xb8;
	[tilespmem:$0x1C200] =	vst v63  }
0x302: {  	s16 =	simm.s32 $0xB200  }
0x303: {  	[tilespmem:s16], [sflag:$0x1] =	stream.indirect_vreg.gather [hbm4b:s6+s3], $0x80, v3, vm0, $0xb8;
	[tilespmem:$0x1C200] =	vst v63  }
0x304: {  	s17 =	simm.s32 $0xBA00  }
0x305: {  	[tilespmem:s17], [sflag:$0x1] =	stream.indirect_vreg.gather [hbm4b:s7+s3], $0x80, v3, vm0, $0xb8;
	[tilespmem:$0x1C200] =	vst v63  }
0x306: {  	v3 =	vld.msk [tilespmem:$0x1F0], $0xff;
	_ =	sdelay $0x4  }
0x307: {  	v62 =	vshll.u32 v3, $0x3  }
0x308: {  	v3 =	vand.u32 $0x7, v3;
	v4 =	vand.u32 $0xFFFFFFC0, v62  }
0x309: {  	v3 =	vor.u32 v3, v4  }
0x30a: {  	v3 =	vperm.xlane v3, v0;
	_ =	sdelay $0x1  }
0x30b: {  	v3 =	vadd.s32 v1, v3;
	_ =	sdelay $0x3  }
0x30c: {  	s22 =	simm.s32 $0xC200  }
0x30d: {  	[tilespmem:s22], [sflag:$0x1] =	stream.indirect_vreg.gather [hbm4b:s2+s3], $0x80, v3, vm0, $0xb8;
	[tilespmem:$0x1C200] =	vst v63  }
0x30e: {  	s25 =	simm.s32 $0xCA00  }
0x30f: {  	[tilespmem:s25], [sflag:$0x1] =	stream.indirect_vreg.gather [hbm4b:s5+s3], $0x80, v3, vm0, $0xb8;
	[tilespmem:$0x1C200] =	vst v63  }
0x310: {  	s26 =	simm.s32 $0xD200  }
0x311: {  	[tilespmem:s26], [sflag:$0x1] =	stream.indirect_vreg.gather [hbm4b:s6+s3], $0x80, v3, vm0, $0xb8;
	[tilespmem:$0x1C200] =	vst v63  }
0x312: {  	s28 =	simm.s32 $0xDA00  }
0x313: {  	[tilespmem:s28], [sflag:$0x1] =	stream.indirect_vreg.gather [hbm4b:s7+s3], $0x80, v3, vm0, $0xb8;
	[tilespmem:$0x1C200] =	vst v63  }
0x314: {  	_ =	swait.ge [sflag:s20], $0xE000  }
0x315: {  	[sflag:s20] =	ssyncset.done $0x0  }
0x316: {  	s29 =	rddreg [dreg:$0xb];
	[sflag:s20] =	ssyncadd.s32 $0xFFFF2000  }
0x317: {  	[hbm4b:s29+s3] =	stream.linear.scatter [tilespmem:s9], [sflag:$0x4], $0xE000, $0x38;
	[tilespmem:$0x1C200] =	vst v63  }
0x318: {  	_ =	swait.ge [sflag:s21], $0xE000  }
0x319: {  	[sflag:s21] =	ssyncset.done $0x0  }
0x31a: {  	[sflag:s21] =	ssyncadd.s32 $0xFFFF2000  }
0x31b: {  	v3 =	vld.msk [tilespmem:$0x1F8], $0xff;
	_ =	sdelay $0x4  }
0x31c: {  	v63 =	vshll.u32 v3, $0x3  }
0x31d: {  	v3 =	vand.u32 $0x7, v3;
	v4 =	vand.u32 $0xFFFFFFC0, v63  }
0x31e: {  	v3 =	vor.u32 v3, v4  }
0x31f: {  	v3 =	vperm.xlane v3, v0;
	_ =	sdelay $0x1  }
0x320: {  	v3 =	vadd.s32 v1, v3;
	_ =	sdelay $0x4  }
0x321: {  	[tilespmem:s9], [sflag:$0x2] =	stream.indirect_vreg.gather [hbm4b:s2+s3], $0x80, v3, vm0, $0xb8;
	[tilespmem:$0x1C200] =	vst v63  }
0x322: {  	s24 =	simm.s32 $0xEA00  }
0x323: {  	[tilespmem:s24], [sflag:$0x2] =	stream.indirect_vreg.gather [hbm4b:s5+s3], $0x80, v3, vm0, $0xb8;
	[tilespmem:$0x1C200] =	vst v63  }
0x324: {  	s23 =	simm.s32 $0xF200  }
0x325: {  	[tilespmem:s23], [sflag:$0x2] =	stream.indirect_vreg.gather [hbm4b:s6+s3], $0x80, v3, vm0, $0xb8;
	[tilespmem:$0x1C200] =	vst v63  }
0x326: {  	_ = 	snop  }
0x327: {  	[tilespmem:s0], [sflag:$0x2] =	stream.indirect_vreg.gather [hbm4b:s7+s3], $0x80, v3, vm0, $0xb8;
	[tilespmem:$0x1C200] =	vst v63  }
0x328: {  	_ =	swait.ge [sflag:s18], $0xE000  }
0x329: {  	[sflag:s18] =	ssyncset.done $0x0  }
0x32a: {  	s1 =	simm.s32 $0x200;
	s30 =	rddreg [dreg:$0xc];
	[sflag:s18] =	ssyncadd.s32 $0xFFFF2000  }
0x32b: {  	[hbm4b:s30+s3] =	stream.linear.scatter [tilespmem:s1], [sflag:$0x3], $0xE000, $0x38;
	[tilespmem:$0x1C200] =	vst v63  }
0x32c: {  	_ =	swait.ge [sflag:s20], $0x2000  }
0x32d: {  	[sflag:s20] =	ssyncset.done $0x0  }
0x32e: {  	s31 =	rddreg [dreg:$0xd];
	[sflag:s20] =	ssyncadd.s32 $0xFFFFE000  }
0x32f: {  	[hbm4b:s31+s3] =	stream.linear.scatter [tilespmem:s9], [sflag:$0x4], $0x2000, $0x38;
	[tilespmem:$0x1C200] =	vst v63  }
0x330: {  	p0 =	sne.s32 s8, $0x1;
	_ =	swait.ge [sflag:s19], $0xE000  }
.Ltmp0:
0x331: {  	[sflag:s19] =	ssyncset.done $0x0;
	(pc) =	sbr.rel @p0 .LBB2_1-.Ltmp0, $4  }
0x332: {  	[sflag:s19] =	ssyncadd.s32 $0xFFFF2000  }
0x333: {  	_ =	swait.ge [sflag:s21], $0x2000  }
0x334: {  	[sflag:s21] =	ssyncset.done $0x0  }
0x335: {  	s8 =	sadd.s32 $0xFFFFFFFF, s8;
	[sflag:s21] =	ssyncadd.s32 $0xFFFFE000  }
0x336: {  	_ =	sfence.sel $0x180000  }
0x337: {  	[bflag:$0x0] =	sbarrier.arrive $0xFFFF  }
0x338: {  	_ =	strace $0x90000047  }
0x339: {  	s0 =	stileid.u32;
	[bflag:$0x2] =	sbarrier.arrive $0xFFFF  }
0x33a: {  	p0 =	sne.s32 s0, $0x0;
	s0 =	rddreg [dreg:$0x3]  }
0x33b: {  	s0 =	sadd.s32 @!p0 $0x100000, s0  }
0x33c: {  	[sflag:s0] =	ssyncadd.tile.s32 @!p0 $0x1;
	_ =	shalt  }
.Lfunc_end2:
_tile_overlayer_lowered:
.L_overlay_start_2:
0x33d: {  	(tag) =	ssettag $0x2  }
0x33e: {  	s0 =	rddreg [dreg:$0x0];
	s2 =	stileid.u32  }
0x33f: {  	s1 =	rddreg [dreg:$0x1];
	p0 =	sne.s32 s2, $0x0  }
0x340: {  	s3 =	rddreg [dreg:$0x2];
	[bflag:$0x3] =	sbarrier.arrive $0xFFFF;
	s2 =	simm.s32 @!p0 $0x1C05  }
0x341: {  	[timem:s3], [sflag:s2] =	dma.local @!p0 [hbm:s0], s1  }
0x342: {  	s0 =	simm.s32 @!p0 $0x5  }
0x343: {  	_ =	swait.ge @!p0 [sflag:s0], s1  }
0x344: {  	s1 =	ssub.s32 @!p0 $0x0, s1;
	[sflag:s0] =	ssyncset.done @!p0 $0x0  }
0x345: {  	[sflag:s0] =	ssyncadd.s32 @!p0 s1  }
0x346: {  	[bflag:$0x3] =	sbarrier.arrive $0xFFFF  }
0x347: {  	_ =	shalt  }

</sc_bundles>
